<compile_context>
chip_gen: v7x
topology: tpu7x:2x2x1
jax: 0.10.2.dev20260603
libtpu: 0.0.44.dev20260713+nightly
codegen_flags: <defaults>
</compile_context>

<pallas_src>
import functools

import jax
import jax.numpy as jnp
from jax import lax
from jax.experimental import pallas as pl
from jax.experimental.pallas import tpu as pltpu
from jax.experimental.pallas import tpu_sc as plsc

_LANES = 16
_CHUNK = 4096
_IDX_ROW = 128


@functools.lru_cache(maxsize=None)
def _build_sampler(N, H, W):
    info = plsc.get_sparse_core_info()
    nc, ns = info.num_cores, info.num_subcores
    nw = nc * ns
    assert N % (nw * 2 * _CHUNK) == 0
    npt = N // nw
    nchunk = npt // _CHUNK
    G = _CHUNK // _LANES
    R = (4 * _CHUNK) // _IDX_ROW
    C = _CHUNK
    fw = float(W - 1)
    fh = float(H - 1)

    mesh = plsc.VectorSubcoreMesh(core_axis_name="c", subcore_axis_name="s")

    buf_types = [
        pltpu.VMEM((C,), jnp.float32),
        pltpu.VMEM((C,), jnp.float32),
        pltpu.VMEM((C,), jnp.float32),
        pltpu.VMEM((C,), jnp.float32),
        pltpu.VMEM((4 * C,), jnp.int32),
        pltpu.VMEM((4 * C,), jnp.float32),
        pltpu.VMEM((C,), jnp.float32),
        pltpu.SemaphoreType.DMA,
        pltpu.SemaphoreType.DMA,
    ]

    @functools.partial(
        pl.kernel, mesh=mesh,
        out_type=jax.ShapeDtypeStruct((N,), jnp.float32),
        scratch_types=buf_types + buf_types
        + [pltpu.VMEM((4 * _LANES,), jnp.float32)],
    )
    def sampler(xs_hbm, ys_hbm, img_hbm, sc_hbm, out_hbm, *scratch):
        bufs = (scratch[0:9], scratch[9:18])
        scv = scratch[18]
        wid = lax.axis_index("s") * nc + lax.axis_index("c")
        base = wid * npt

        pltpu.sync_copy(sc_hbm, scv)
        aminx = scv[pl.ds(0, _LANES)]
        aminy = scv[pl.ds(_LANES, _LANES)]
        invdx = scv[pl.ds(2 * _LANES, _LANES)]
        invdy = scv[pl.ds(3 * _LANES, _LANES)]

        def cb_of(c):
            return pl.multiple_of(base + c * C, 8)

        def issue_coords(cb, b):
            xsv, ysv = bufs[b][0], bufs[b][1]
            semx = bufs[b][8]
            pltpu.async_copy(xs_hbm.at[pl.ds(cb, C)], xsv, semx)
            pltpu.async_copy(ys_hbm.at[pl.ds(cb, C)], ysv, semx)

        def build_fire(cb, b):
            xsv, ysv, wxv, wyv, idxv, valv, outv, sem, semx = bufs[b]
            pltpu.make_async_copy(xs_hbm.at[pl.ds(cb, C)], xsv, semx).wait()
            pltpu.make_async_copy(ys_hbm.at[pl.ds(cb, C)], ysv, semx).wait()

            @plsc.parallel_loop(0, G, unroll=4)
            def build(g):
                o = g * _LANES
                gx = xsv[pl.ds(o, _LANES)]
                gy = ysv[pl.ds(o, _LANES)]
                xn = (gx - aminx) * 2.0 * invdx - 1.0
                yn = (gy - aminy) * 2.0 * invdy - 1.0
                fx = (xn + 1.0) * 0.5 * fw
                fy = (yn + 1.0) * 0.5 * fh
                ix = jnp.minimum(jnp.maximum(fx.astype(jnp.int32), 0), W - 2)
                iy = jnp.minimum(jnp.maximum(fy.astype(jnp.int32), 0), H - 2)
                wxv[pl.ds(o, _LANES)] = fx - ix.astype(jnp.float32)
                wyv[pl.ds(o, _LANES)] = fy - iy.astype(jnp.float32)
                i00 = iy * W + ix
                idxv[pl.ds(o, _LANES)] = i00
                idxv[pl.ds(C + o, _LANES)] = i00 + 1
                idxv[pl.ds(2 * C + o, _LANES)] = i00 + W
                idxv[pl.ds(3 * C + o, _LANES)] = i00 + (W + 1)

            def fire(r, _):
                o = r * _IDX_ROW
                pltpu.async_copy(img_hbm.at[idxv.at[pl.ds(o, _IDX_ROW)]],
                                 valv.at[pl.ds(o, _IDX_ROW)], sem)
                return _

            lax.fori_loop(0, R, fire, None)

        def finish(cb, b):
            xsv, ysv, wxv, wyv, idxv, valv, outv, sem, semx = bufs[b]
            pltpu.make_async_copy(img_hbm.at[pl.ds(0, 4 * C)], valv, sem).wait()

            @plsc.parallel_loop(0, G, unroll=4)
            def combine(g):
                o = g * _LANES
                v00 = valv[pl.ds(o, _LANES)]
                v01 = valv[pl.ds(C + o, _LANES)]
                v10 = valv[pl.ds(2 * C + o, _LANES)]
                v11 = valv[pl.ds(3 * C + o, _LANES)]
                wx1 = wxv[pl.ds(o, _LANES)]
                wy1 = wyv[pl.ds(o, _LANES)]
                wx0 = 1.0 - wx1
                wy0 = 1.0 - wy1
                outv[pl.ds(o, _LANES)] = (v00 * wy0 * wx0 + v01 * wy0 * wx1
                                          + v10 * wy1 * wx0 + v11 * wy1 * wx1)

            pltpu.sync_copy(outv, out_hbm.at[pl.ds(cb, C)])

        issue_coords(cb_of(0), 0)
        issue_coords(cb_of(1), 1)
        build_fire(cb_of(0), 0)

        def pair(i, _):
            c0 = 2 * i
            build_fire(cb_of(c0 + 1), 1)

            @pl.when(c0 + 2 < nchunk)
            def _pf0():
                issue_coords(cb_of(c0 + 2), 0)

            finish(cb_of(c0), 0)

            @pl.when(c0 + 2 < nchunk)
            def _bf0():
                build_fire(cb_of(c0 + 2), 0)

            @pl.when(c0 + 3 < nchunk)
            def _pf1():
                issue_coords(cb_of(c0 + 3), 1)

            finish(cb_of(c0 + 1), 1)
            return _

        lax.fori_loop(0, nchunk // 2, pair, None)

    return sampler


def kernel(x, image, aabb_min, aabb_max):
    orig_shape = x.shape
    x_flat = x.reshape(-1, 2)
    N = x_flat.shape[0]
    H, W = image.shape[2], image.shape[3]
    inv = 1.0 / (aabb_max - aabb_min)
    ones = jnp.ones((_LANES,), jnp.float32)
    sc = jnp.concatenate([aabb_min[0] * ones, aabb_min[1] * ones,
                          inv[0] * ones, inv[1] * ones])
    xs = x_flat[:, 0]
    ys = x_flat[:, 1]
    out = _build_sampler(N, H, W)(xs, ys, image.reshape(H * W), sc)
    return out.reshape(orig_shape[:-1])

# --- scband reference (transcript-rebuilt; emitter-appended) ---
"""Pipeline reference for scband-image-model-24361054503309 (READ-ONLY COPY).

The authoritative reference and input builder live on the scoring server;
editing this copy changes nothing except your own understanding.
"""

import jax, jax.numpy as jnp
import numpy as np


def setup_inputs(seed: int = 0) -> dict:
    key = jax.random.key(seed)
    k1, k2 = jax.random.split(key)
    # Query coordinates in AABB range [0, 1)^2
    x = jax.random.uniform(k1, (2097152, 2), dtype=jnp.float32)
    # Learned/buffered image acting as the lookup table: (N=1, C=1, H, W)
    image = jax.random.normal(k2, (1, 1, 8192, 8192), dtype=jnp.float32)
    aabb_min = jnp.zeros((2,), dtype=jnp.float32)
    aabb_max = jnp.ones((2,), dtype=jnp.float32)
    return {"x": x, "image": image, "aabb_min": aabb_min, "aabb_max": aabb_max}


def _grid_sample_bilinear_zeros(img2d, gx, gy):
    # Faithful F.grid_sample(mode='bilinear', padding_mode='zeros', align_corners=True)
    # img2d: (H, W); gx, gy: (N,) normalized coords in [-1, 1]
    H, W = img2d.shape
    ix = (gx + 1.0) * 0.5 * (W - 1)
    iy = (gy + 1.0) * 0.5 * (H - 1)
    ix0 = jnp.floor(ix)
    iy0 = jnp.floor(iy)
    ix1 = ix0 + 1.0
    iy1 = iy0 + 1.0
    wx1 = ix - ix0
    wx0 = 1.0 - wx1
    wy1 = iy - iy0
    wy0 = 1.0 - wy1

    def gather(yi, xi):
        valid = (xi >= 0) & (xi <= W - 1) & (yi >= 0) & (yi <= H - 1)
        xi_c = jnp.clip(xi, 0, W - 1).astype(jnp.int32)
        yi_c = jnp.clip(yi, 0, H - 1).astype(jnp.int32)
        vals = img2d[yi_c, xi_c]
        return jnp.where(valid, vals, 0.0)

    v00 = gather(iy0, ix0)
    v01 = gather(iy0, ix1)
    v10 = gather(iy1, ix0)
    v11 = gather(iy1, ix1)
    return v00 * wy0 * wx0 + v01 * wy0 * wx1 + v10 * wy1 * wx0 + v11 * wy1 * wx1


def reference(x, image, aabb_min, aabb_max):
    orig_shape = x.shape
    x_flat = x.reshape(-1, 2)
    amin = aabb_min.reshape(1, 2)
    amax = aabb_max.reshape(1, 2)
    x_norm = 2.0 * (x_flat - amin) / (amax - amin) - 1.0
    img2d = image[0, 0]
    # grid_sample convention: grid[..., 0] indexes width (x), grid[..., 1] height (y)
    out = _grid_sample_bilinear_zeros(img2d, x_norm[:, 0], x_norm[:, 1])
    return out.reshape(orig_shape[:-1])

if __name__ == "__main__":
    import jax
    _d = setup_inputs()
    print(jax.jit(kernel)(*tuple(_d.values())))

</pallas_src>

<mosaic_0001>
#map = affine_map<(d0, d1) -> (0)>
module attributes {stable_mosaic.version = 14 : i64} {
  func.func @sampler(%arg0: i32, %arg1: i32, %arg2: memref<2097152xf32, #tpu.memory_space<hbm>>, %arg3: memref<2097152xf32, #tpu.memory_space<hbm>>, %arg4: memref<67108864xf32, #tpu.memory_space<hbm>>, %arg5: memref<64xf32, #tpu.memory_space<hbm>>, %arg6: memref<2097152xf32, #tpu.memory_space<hbm>>, %arg7: memref<4096xf32, #tpu.memory_space<vmem>>, %arg8: memref<4096xf32, #tpu.memory_space<vmem>>, %arg9: memref<4096xf32, #tpu.memory_space<vmem>>, %arg10: memref<4096xf32, #tpu.memory_space<vmem>>, %arg11: memref<16384xi32, #tpu.memory_space<vmem>>, %arg12: memref<16384xf32, #tpu.memory_space<vmem>>, %arg13: memref<4096xf32, #tpu.memory_space<vmem>>, %arg14: memref<!tpu.dma_semaphore, #tpu.memory_space<semaphore_mem>>, %arg15: memref<!tpu.dma_semaphore, #tpu.memory_space<semaphore_mem>>, %arg16: memref<4096xf32, #tpu.memory_space<vmem>>, %arg17: memref<4096xf32, #tpu.memory_space<vmem>>, %arg18: memref<4096xf32, #tpu.memory_space<vmem>>, %arg19: memref<4096xf32, #tpu.memory_space<vmem>>, %arg20: memref<16384xi32, #tpu.memory_space<vmem>>, %arg21: memref<16384xf32, #tpu.memory_space<vmem>>, %arg22: memref<4096xf32, #tpu.memory_space<vmem>>, %arg23: memref<!tpu.dma_semaphore, #tpu.memory_space<semaphore_mem>>, %arg24: memref<!tpu.dma_semaphore, #tpu.memory_space<semaphore_mem>>, %arg25: memref<64xf32, #tpu.memory_space<vmem>>) attributes {dimension_semantics = [#tpu.dimension_semantics<core_parallel>, #tpu.dimension_semantics<subcore_parallel>], iteration_bounds = array<i64: 2, 16>, scalar_prefetch = 0 : i64, scratch_operands = 19 : i64, tpu.core_type = #tpu.core_type<sc_vector_subcore>, window_params = [{transform_indices = #map}, {transform_indices = #map}, {transform_indices = #map}, {transform_indices = #map}, {transform_indices = #map}]} {
    %mul3A = arith.constant 2 : i32
    %mul3A_0 = arith.muli %arg1, %mul3A : i32
    %add3A = arith.addi %mul3A_0, %arg0 : i32
    %mul3A_1 = arith.constant 65536 : i32
    %mul3A_2 = arith.muli %add3A, %mul3A_1 : i32
    "tpu.region"() ({
      %run_scoped3A = tpu.sem_alloc : memref<!tpu.dma_semaphore, #tpu.memory_space<semaphore_mem>>
      tpu.enqueue_dma source(%arg5 : memref<64xf32, #tpu.memory_space<hbm>>) target(%arg25 : memref<64xf32, #tpu.memory_space<vmem>>) target_semaphore(%run_scoped3A : memref<!tpu.dma_semaphore, #tpu.memory_space<semaphore_mem>>)
      tpu.wait_dma2 semaphore(%run_scoped3A : memref<!tpu.dma_semaphore, #tpu.memory_space<semaphore_mem>>) src(%arg5 : memref<64xf32, #tpu.memory_space<hbm>>) dst(%arg25 : memref<64xf32, #tpu.memory_space<vmem>>)
      tpu.yield
    }) : () -> ()
    %get3A = arith.constant 0 : index
    %get3A_3 = tpu.vector_load %arg25[%get3A] {strides = array<i32>} : memref<64xf32, #tpu.memory_space<vmem>>, vector<16xf32>,
    %get3A_4 = vector.shape_cast %get3A_3 : vector<16xf32> to vector<16xf32>
    %get3A_5 = arith.constant 16 : index
    %get3A_6 = tpu.vector_load %arg25[%get3A_5] {strides = array<i32>} : memref<64xf32, #tpu.memory_space<vmem>>, vector<16xf32>,
    %get3A_7 = vector.shape_cast %get3A_6 : vector<16xf32> to vector<16xf32>
    %get3A_8 = arith.constant 32 : index
    %get3A_9 = tpu.vector_load %arg25[%get3A_8] {strides = array<i32>} : memref<64xf32, #tpu.memory_space<vmem>>, vector<16xf32>,
    %get3A_10 = vector.shape_cast %get3A_9 : vector<16xf32> to vector<16xf32>
    %get3A_11 = arith.constant 48 : index
    %get3A_12 = tpu.vector_load %arg25[%get3A_11] {strides = array<i32>} : memref<64xf32, #tpu.memory_space<vmem>>, vector<16xf32>,
    %get3A_13 = vector.shape_cast %get3A_12 : vector<16xf32> to vector<16xf32>
    %add3A_14 = arith.constant 0 : i32
    %add3A_15 = arith.addi %mul3A_2, %add3A_14 : i32
    %multiple_of3A = tpu.assume_multiple %add3A_15, 8 : i32
    %dma_start3A = tpu.memref_slice %arg2[%multiple_of3A] : memref<2097152xf32, #tpu.memory_space<hbm>> -> memref<4096xf32, #tpu.memory_space<hbm>>
    %dma_start3A_16 = tpu.memref_slice %arg2[%multiple_of3A] : memref<2097152xf32, #tpu.memory_space<hbm>> -> memref<4096xf32, #tpu.memory_space<hbm>>
    tpu.enqueue_dma source(%dma_start3A_16 : memref<4096xf32, #tpu.memory_space<hbm>>) target(%arg7 : memref<4096xf32, #tpu.memory_space<vmem>>) target_semaphore(%arg15 : memref<!tpu.dma_semaphore, #tpu.memory_space<semaphore_mem>>)
    %dma_start3A_17 = tpu.memref_slice %arg3[%multiple_of3A] : memref<2097152xf32, #tpu.memory_space<hbm>> -> memref<4096xf32, #tpu.memory_space<hbm>>
    %dma_start3A_18 = tpu.memref_slice %arg3[%multiple_of3A] : memref<2097152xf32, #tpu.memory_space<hbm>> -> memref<4096xf32, #tpu.memory_space<hbm>>
    tpu.enqueue_dma source(%dma_start3A_18 : memref<4096xf32, #tpu.memory_space<hbm>>) target(%arg8 : memref<4096xf32, #tpu.memory_space<vmem>>) target_semaphore(%arg15 : memref<!tpu.dma_semaphore, #tpu.memory_space<semaphore_mem>>)
    %add3A_19 = arith.constant 4096 : i32
    %add3A_20 = arith.addi %mul3A_2, %add3A_19 : i32
    %multiple_of3A_21 = tpu.assume_multiple %add3A_20, 8 : i32
    %dma_start3A_22 = tpu.memref_slice %arg2[%multiple_of3A_21] : memref<2097152xf32, #tpu.memory_space<hbm>> -> memref<4096xf32, #tpu.memory_space<hbm>>
    %dma_start3A_23 = tpu.memref_slice %arg2[%multiple_of3A_21] : memref<2097152xf32, #tpu.memory_space<hbm>> -> memref<4096xf32, #tpu.memory_space<hbm>>
    tpu.enqueue_dma source(%dma_start3A_23 : memref<4096xf32, #tpu.memory_space<hbm>>) target(%arg16 : memref<4096xf32, #tpu.memory_space<vmem>>) target_semaphore(%arg24 : memref<!tpu.dma_semaphore, #tpu.memory_space<semaphore_mem>>)
    %dma_start3A_24 = tpu.memref_slice %arg3[%multiple_of3A_21] : memref<2097152xf32, #tpu.memory_space<hbm>> -> memref<4096xf32, #tpu.memory_space<hbm>>
    %dma_start3A_25 = tpu.memref_slice %arg3[%multiple_of3A_21] : memref<2097152xf32, #tpu.memory_space<hbm>> -> memref<4096xf32, #tpu.memory_space<hbm>>
    tpu.enqueue_dma source(%dma_start3A_25 : memref<4096xf32, #tpu.memory_space<hbm>>) target(%arg17 : memref<4096xf32, #tpu.memory_space<vmem>>) target_semaphore(%arg24 : memref<!tpu.dma_semaphore, #tpu.memory_space<semaphore_mem>>)
    %add3A_26 = arith.constant 0 : i32
    %add3A_27 = arith.addi %mul3A_2, %add3A_26 : i32
    %multiple_of3A_28 = tpu.assume_multiple %add3A_27, 8 : i32
    %dma_wait3A = tpu.memref_slice %arg2[%multiple_of3A_28] : memref<2097152xf32, #tpu.memory_space<hbm>> -> memref<4096xf32, #tpu.memory_space<hbm>>
    %dma_wait3A_29 = tpu.memref_slice %arg2[%multiple_of3A_28] : memref<2097152xf32, #tpu.memory_space<hbm>> -> memref<4096xf32, #tpu.memory_space<hbm>>
    tpu.wait_dma2 semaphore(%arg15 : memref<!tpu.dma_semaphore, #tpu.memory_space<semaphore_mem>>) src(%dma_wait3A_29 : memref<4096xf32, #tpu.memory_space<hbm>>) dst(%arg7 : memref<4096xf32, #tpu.memory_space<vmem>>)
    %dma_wait3A_30 = tpu.memref_slice %arg3[%multiple_of3A_28] : memref<2097152xf32, #tpu.memory_space<hbm>> -> memref<4096xf32, #tpu.memory_space<hbm>>
    %dma_wait3A_31 = tpu.memref_slice %arg3[%multiple_of3A_28] : memref<2097152xf32, #tpu.memory_space<hbm>> -> memref<4096xf32, #tpu.memory_space<hbm>>
    tpu.wait_dma2 semaphore(%arg15 : memref<!tpu.dma_semaphore, #tpu.memory_space<semaphore_mem>>) src(%dma_wait3A_31 : memref<4096xf32, #tpu.memory_space<hbm>>) dst(%arg8 : memref<4096xf32, #tpu.memory_space<vmem>>)
    %parallel_loop3A = arith.constant 0 : i32
    %parallel_loop3A_32 = arith.constant 256 : i32
    %parallel_loop3A_33 = arith.constant 1 : i32
    scf.for %parallel_loop3A_43 = %parallel_loop3A to %parallel_loop3A_32 step %parallel_loop3A_33  : i32 {
      %parallel_loop3A_44 = arith.constant 16 : i32
      %parallel_loop3A_45 = arith.muli %parallel_loop3A_43, %parallel_loop3A_44 : i32
      %parallel_loop3A_46 = arith.index_cast %parallel_loop3A_45 : i32 to index
      %parallel_loop3A_47 = tpu.vector_load %arg7[%parallel_loop3A_46] {strides = array<i32>} : memref<4096xf32, #tpu.memory_space<vmem>>, vector<16xf32>,
      %parallel_loop3A_48 = vector.shape_cast %parallel_loop3A_47 : vector<16xf32> to vector<16xf32>
      %parallel_loop3A_49 = arith.index_cast %parallel_loop3A_45 : i32 to index
      %parallel_loop3A_50 = tpu.vector_load %arg8[%parallel_loop3A_49] {strides = array<i32>} : memref<4096xf32, #tpu.memory_space<vmem>>, vector<16xf32>,
      %parallel_loop3A_51 = vector.shape_cast %parallel_loop3A_50 : vector<16xf32> to vector<16xf32>
      %parallel_loop3A_52 = arith.subf %parallel_loop3A_48, %get3A_4 : vector<16xf32>
      %parallel_loop3A_53 = arith.constant 2.000000e+00 : f32
      %parallel_loop3A_54 = vector.broadcast %parallel_loop3A_53 : f32 to vector<16xf32>
      %parallel_loop3A_55 = arith.mulf %parallel_loop3A_52, %parallel_loop3A_54 : vector<16xf32>
      %parallel_loop3A_56 = arith.mulf %parallel_loop3A_55, %get3A_10 : vector<16xf32>
      %parallel_loop3A_57 = arith.constant 1.000000e+00 : f32
      %parallel_loop3A_58 = vector.broadcast %parallel_loop3A_57 : f32 to vector<16xf32>
      %parallel_loop3A_59 = arith.subf %parallel_loop3A_56, %parallel_loop3A_58 : vector<16xf32>
      %parallel_loop3A_60 = arith.subf %parallel_loop3A_51, %get3A_7 : vector<16xf32>
      %parallel_loop3A_61 = arith.constant 2.000000e+00 : f32
      %parallel_loop3A_62 = vector.broadcast %parallel_loop3A_61 : f32 to vector<16xf32>
      %parallel_loop3A_63 = arith.mulf %parallel_loop3A_60, %parallel_loop3A_62 : vector<16xf32>
      %parallel_loop3A_64 = arith.mulf %parallel_loop3A_63, %get3A_13 : vector<16xf32>
      %parallel_loop3A_65 = arith.constant 1.000000e+00 : f32
      %parallel_loop3A_66 = vector.broadcast %parallel_loop3A_65 : f32 to vector<16xf32>
      %parallel_loop3A_67 = arith.subf %parallel_loop3A_64, %parallel_loop3A_66 : vector<16xf32>
      %parallel_loop3A_68 = arith.constant 1.000000e+00 : f32
      %parallel_loop3A_69 = vector.broadcast %parallel_loop3A_68 : f32 to vector<16xf32>
      %parallel_loop3A_70 = arith.addf %parallel_loop3A_59, %parallel_loop3A_69 : vector<16xf32>
      %parallel_loop3A_71 = arith.constant 5.000000e-01 : f32
      %parallel_loop3A_72 = vector.broadcast %parallel_loop3A_71 : f32 to vector<16xf32>
      %parallel_loop3A_73 = arith.mulf %parallel_loop3A_70, %parallel_loop3A_72 : vector<16xf32>
      %parallel_loop3A_74 = arith.constant 8.191000e+03 : f32
      %parallel_loop3A_75 = vector.broadcast %parallel_loop3A_74 : f32 to vector<16xf32>
      %parallel_loop3A_76 = arith.mulf %parallel_loop3A_73, %parallel_loop3A_75 : vector<16xf32>
      %parallel_loop3A_77 = arith.constant 1.000000e+00 : f32
      %parallel_loop3A_78 = vector.broadcast %parallel_loop3A_77 : f32 to vector<16xf32>
      %parallel_loop3A_79 = arith.addf %parallel_loop3A_67, %parallel_loop3A_78 : vector<16xf32>
      %parallel_loop3A_80 = arith.constant 5.000000e-01 : f32
      %parallel_loop3A_81 = vector.broadcast %parallel_loop3A_80 : f32 to vector<16xf32>
      %parallel_loop3A_82 = arith.mulf %parallel_loop3A_79, %parallel_loop3A_81 : vector<16xf32>
      %parallel_loop3A_83 = arith.constant 8.191000e+03 : f32
      %parallel_loop3A_84 = vector.broadcast %parallel_loop3A_83 : f32 to vector<16xf32>
      %parallel_loop3A_85 = arith.mulf %parallel_loop3A_82, %parallel_loop3A_84 : vector<16xf32>
      %parallel_loop3A_86 = arith.fptosi %parallel_loop3A_76 : vector<16xf32> to vector<16xi32>
      %parallel_loop3A_87 = arith.constant 0 : i32
      %parallel_loop3A_88 = vector.broadcast %parallel_loop3A_87 : i32 to vector<16xi32>
      %parallel_loop3A_89 = arith.maxsi %parallel_loop3A_86, %parallel_loop3A_88 : vector<16xi32>
      %parallel_loop3A_90 = arith.constant 8190 : i32
      %parallel_loop3A_91 = vector.broadcast %parallel_loop3A_90 : i32 to vector<16xi32>
      %parallel_loop3A_92 = arith.minsi %parallel_loop3A_89, %parallel_loop3A_91 : vector<16xi32>
      %parallel_loop3A_93 = arith.fptosi %parallel_loop3A_85 : vector<16xf32> to vector<16xi32>
      %parallel_loop3A_94 = arith.constant 0 : i32
      %parallel_loop3A_95 = vector.broadcast %parallel_loop3A_94 : i32 to vector<16xi32>
      %parallel_loop3A_96 = arith.maxsi %parallel_loop3A_93, %parallel_loop3A_95 : vector<16xi32>
      %parallel_loop3A_97 = arith.constant 8190 : i32
      %parallel_loop3A_98 = vector.broadcast %parallel_loop3A_97 : i32 to vector<16xi32>
      %parallel_loop3A_99 = arith.minsi %parallel_loop3A_96, %parallel_loop3A_98 : vector<16xi32>
      %parallel_loop3A_100 = arith.sitofp %parallel_loop3A_92 : vector<16xi32> to vector<16xf32>
      %parallel_loop3A_101 = arith.subf %parallel_loop3A_76, %parallel_loop3A_100 : vector<16xf32>
      %parallel_loop3A_102 = arith.index_cast %parallel_loop3A_45 : i32 to index
      %parallel_loop3A_103 = tpu.vector_load %arg9[%parallel_loop3A_102] {strides = array<i32>} : memref<4096xf32, #tpu.memory_space<vmem>>, vector<16xf32>,
      %parallel_loop3A_104 = vector.shape_cast %parallel_loop3A_103 : vector<16xf32> to vector<16xf32>
      %parallel_loop3A_105 = vector.shape_cast %parallel_loop3A_101 : vector<16xf32> to vector<16xf32>
      tpu.vector_store %arg9[%parallel_loop3A_102], %parallel_loop3A_105 {strides = array<i32>} : memref<4096xf32, #tpu.memory_space<vmem>>, vector<16xf32>,
      %parallel_loop3A_106 = arith.sitofp %parallel_loop3A_99 : vector<16xi32> to vector<16xf32>
      %parallel_loop3A_107 = arith.subf %parallel_loop3A_85, %parallel_loop3A_106 : vector<16xf32>
      %parallel_loop3A_108 = arith.index_cast %parallel_loop3A_45 : i32 to index
      %parallel_loop3A_109 = tpu.vector_load %arg10[%parallel_loop3A_108] {strides = array<i32>} : memref<4096xf32, #tpu.memory_space<vmem>>, vector<16xf32>,
      %parallel_loop3A_110 = vector.shape_cast %parallel_loop3A_109 : vector<16xf32> to vector<16xf32>
      %parallel_loop3A_111 = vector.shape_cast %parallel_loop3A_107 : vector<16xf32> to vector<16xf32>
      tpu.vector_store %arg10[%parallel_loop3A_108], %parallel_loop3A_111 {strides = array<i32>} : memref<4096xf32, #tpu.memory_space<vmem>>, vector<16xf32>,
      %parallel_loop3A_112 = arith.constant 8192 : i32
      %parallel_loop3A_113 = vector.broadcast %parallel_loop3A_112 : i32 to vector<16xi32>
      %parallel_loop3A_114 = arith.muli %parallel_loop3A_99, %parallel_loop3A_113 : vector<16xi32>
      %parallel_loop3A_115 = arith.addi %parallel_loop3A_114, %parallel_loop3A_92 : vector<16xi32>
      %parallel_loop3A_116 = arith.index_cast %parallel_loop3A_45 : i32 to index
      %parallel_loop3A_117 = tpu.vector_load %arg11[%parallel_loop3A_116] {strides = array<i32>} : memref<16384xi32, #tpu.memory_space<vmem>>, vector<16xi32>,
      %parallel_loop3A_118 = vector.shape_cast %parallel_loop3A_117 : vector<16xi32> to vector<16xi32>
      %parallel_loop3A_119 = vector.shape_cast %parallel_loop3A_115 : vector<16xi32> to vector<16xi32>
      tpu.vector_store %arg11[%parallel_loop3A_116], %parallel_loop3A_119 {strides = array<i32>} : memref<16384xi32, #tpu.memory_space<vmem>>, vector<16xi32>,
      %parallel_loop3A_120 = arith.constant 1 : i32
      %parallel_loop3A_121 = vector.broadcast %parallel_loop3A_120 : i32 to vector<16xi32>
      %parallel_loop3A_122 = arith.addi %parallel_loop3A_115, %parallel_loop3A_121 : vector<16xi32>
      %parallel_loop3A_123 = arith.constant 4096 : i32
      %parallel_loop3A_124 = arith.addi %parallel_loop3A_123, %parallel_loop3A_45 : i32
      %parallel_loop3A_125 = arith.index_cast %parallel_loop3A_124 : i32 to index
      %parallel_loop3A_126 = tpu.vector_load %arg11[%parallel_loop3A_125] {strides = array<i32>} : memref<16384xi32, #tpu.memory_space<vmem>>, vector<16xi32>,
      %parallel_loop3A_127 = vector.shape_cast %parallel_loop3A_126 : vector<16xi32> to vector<16xi32>
      %parallel_loop3A_128 = vector.shape_cast %parallel_loop3A_122 : vector<16xi32> to vector<16xi32>
      tpu.vector_store %arg11[%parallel_loop3A_125], %parallel_loop3A_128 {strides = array<i32>} : memref<16384xi32, #tpu.memory_space<vmem>>, vector<16xi32>,
      %parallel_loop3A_129 = arith.constant 8192 : i32
      %parallel_loop3A_130 = vector.broadcast %parallel_loop3A_129 : i32 to vector<16xi32>
      %parallel_loop3A_131 = arith.addi %parallel_loop3A_115, %parallel_loop3A_130 : vector<16xi32>
      %parallel_loop3A_132 = arith.constant 8192 : i32
      %parallel_loop3A_133 = arith.addi %parallel_loop3A_132, %parallel_loop3A_45 : i32
      %parallel_loop3A_134 = arith.index_cast %parallel_loop3A_133 : i32 to index
      %parallel_loop3A_135 = tpu.vector_load %arg11[%parallel_loop3A_134] {strides = array<i32>} : memref<16384xi32, #tpu.memory_space<vmem>>, vector<16xi32>,
      %parallel_loop3A_136 = vector.shape_cast %parallel_loop3A_135 : vector<16xi32> to vector<16xi32>
      %parallel_loop3A_137 = vector.shape_cast %parallel_loop3A_131 : vector<16xi32> to vector<16xi32>
      tpu.vector_store %arg11[%parallel_loop3A_134], %parallel_loop3A_137 {strides = array<i32>} : memref<16384xi32, #tpu.memory_space<vmem>>, vector<16xi32>,
      %parallel_loop3A_138 = arith.constant 8193 : i32
      %parallel_loop3A_139 = vector.broadcast %parallel_loop3A_138 : i32 to vector<16xi32>
      %parallel_loop3A_140 = arith.addi %parallel_loop3A_115, %parallel_loop3A_139 : vector<16xi32>
      %parallel_loop3A_141 = arith.constant 12288 : i32
      %parallel_loop3A_142 = arith.addi %parallel_loop3A_141, %parallel_loop3A_45 : i32
      %parallel_loop3A_143 = arith.index_cast %parallel_loop3A_142 : i32 to index
      %parallel_loop3A_144 = tpu.vector_load %arg11[%parallel_loop3A_143] {strides = array<i32>} : memref<16384xi32, #tpu.memory_space<vmem>>, vector<16xi32>,
      %parallel_loop3A_145 = vector.shape_cast %parallel_loop3A_144 : vector<16xi32> to vector<16xi32>
      %parallel_loop3A_146 = vector.shape_cast %parallel_loop3A_140 : vector<16xi32> to vector<16xi32>
      tpu.vector_store %arg11[%parallel_loop3A_143], %parallel_loop3A_146 {strides = array<i32>} : memref<16384xi32, #tpu.memory_space<vmem>>, vector<16xi32>,
    } {sc.loop_unroll_factor = 4 : i64, sc.parallel_access}
    %scan3A = arith.constant 0 : i32
    %scan3A_34 = arith.constant 128 : i32
    %scan3A_35 = arith.addi %scan3A, %scan3A_34 : i32
    %scan3A_36 = arith.constant 1 : i32
    scf.for %scan3A_43 = %scan3A to %scan3A_35 step %scan3A_36  : i32 {
      %mul3A_44 = arith.constant 128 : i32
      %mul3A_45 = arith.muli %scan3A_43, %mul3A_44 : i32
      %dma_start3A_46 = tpu.memref_slice %arg12[%mul3A_45] : memref<16384xf32, #tpu.memory_space<vmem>> -> memref<128xf32, #tpu.memory_space<vmem>>
      %dma_start3A_47 = tpu.memref_slice %arg11[%mul3A_45] : memref<16384xi32, #tpu.memory_space<vmem>> -> memref<128xi32, #tpu.memory_space<vmem>>
      %dma_start3A_48 = arith.constant 0 : i32
      %dma_start3A_49 = tpu.memref_slice %arg4[%dma_start3A_48] : memref<67108864xf32, #tpu.memory_space<hbm>> -> memref<67108864xf32, #tpu.memory_space<hbm>>
      tpu.enqueue_indirect_dma source(%dma_start3A_49 : memref<67108864xf32, #tpu.memory_space<hbm>>) target(%dma_start3A_46 : memref<128xf32, #tpu.memory_space<vmem>>) offsets(%dma_start3A_47 : memref<128xi32, #tpu.memory_space<vmem>>) semaphore(%arg14 : memref<!tpu.dma_semaphore, #tpu.memory_space<semaphore_mem>>)
    }
    %scan3A_37 = arith.constant 128 : i32
    %scan3A_38 = arith.constant 0 : i32
    %scan3A_39 = arith.constant 8 : i32
    %scan3A_40 = arith.addi %scan3A_38, %scan3A_39 : i32
    %scan3A_41 = arith.constant 1 : i32
    scf.for %scan3A_43 = %scan3A_38 to %scan3A_40 step %scan3A_41  : i32 {
      %mul3A_44 = arith.constant 2 : i32
      %mul3A_45 = arith.muli %mul3A_44, %scan3A_43 : i32
      %add3A_46 = arith.constant 1 : i32
      %add3A_47 = arith.addi %mul3A_45, %add3A_46 : i32
      %mul3A_48 = arith.constant 4096 : i32
      %mul3A_49 = arith.muli %add3A_47, %mul3A_48 : i32
      %add3A_50 = arith.addi %mul3A_2, %mul3A_49 : i32
      %multiple_of3A_51 = tpu.assume_multiple %add3A_50, 8 : i32
      %dma_wait3A_52 = tpu.memref_slice %arg2[%multiple_of3A_51] : memref<2097152xf32, #tpu.memory_space<hbm>> -> memref<4096xf32, #tpu.memory_space<hbm>>
      %dma_wait3A_53 = tpu.memref_slice %arg2[%multiple_of3A_51] : memref<2097152xf32, #tpu.memory_space<hbm>> -> memref<4096xf32, #tpu.memory_space<hbm>>
      tpu.wait_dma2 semaphore(%arg24 : memref<!tpu.dma_semaphore, #tpu.memory_space<semaphore_mem>>) src(%dma_wait3A_53 : memref<4096xf32, #tpu.memory_space<hbm>>) dst(%arg16 : memref<4096xf32, #tpu.memory_space<vmem>>)
      %dma_wait3A_54 = tpu.memref_slice %arg3[%multiple_of3A_51] : memref<2097152xf32, #tpu.memory_space<hbm>> -> memref<4096xf32, #tpu.memory_space<hbm>>
      %dma_wait3A_55 = tpu.memref_slice %arg3[%multiple_of3A_51] : memref<2097152xf32, #tpu.memory_space<hbm>> -> memref<4096xf32, #tpu.memory_space<hbm>>
      tpu.wait_dma2 semaphore(%arg24 : memref<!tpu.dma_semaphore, #tpu.memory_space<semaphore_mem>>) src(%dma_wait3A_55 : memref<4096xf32, #tpu.memory_space<hbm>>) dst(%arg17 : memref<4096xf32, #tpu.memory_space<vmem>>)
      %parallel_loop3A_56 = arith.constant 0 : i32
      %parallel_loop3A_57 = arith.constant 256 : i32
      %parallel_loop3A_58 = arith.constant 1 : i32
      scf.for %parallel_loop3A_106 = %parallel_loop3A_56 to %parallel_loop3A_57 step %parallel_loop3A_58  : i32 {
        %parallel_loop3A_107 = arith.constant 16 : i32
        %parallel_loop3A_108 = arith.muli %parallel_loop3A_106, %parallel_loop3A_107 : i32
        %parallel_loop3A_109 = arith.index_cast %parallel_loop3A_108 : i32 to index
        %parallel_loop3A_110 = tpu.vector_load %arg16[%parallel_loop3A_109] {strides = array<i32>} : memref<4096xf32, #tpu.memory_space<vmem>>, vector<16xf32>,
        %parallel_loop3A_111 = vector.shape_cast %parallel_loop3A_110 : vector<16xf32> to vector<16xf32>
        %parallel_loop3A_112 = arith.index_cast %parallel_loop3A_108 : i32 to index
        %parallel_loop3A_113 = tpu.vector_load %arg17[%parallel_loop3A_112] {strides = array<i32>} : memref<4096xf32, #tpu.memory_space<vmem>>, vector<16xf32>,
        %parallel_loop3A_114 = vector.shape_cast %parallel_loop3A_113 : vector<16xf32> to vector<16xf32>
        %parallel_loop3A_115 = arith.subf %parallel_loop3A_111, %get3A_4 : vector<16xf32>
        %parallel_loop3A_116 = arith.constant 2.000000e+00 : f32
        %parallel_loop3A_117 = vector.broadcast %parallel_loop3A_116 : f32 to vector<16xf32>
        %parallel_loop3A_118 = arith.mulf %parallel_loop3A_115, %parallel_loop3A_117 : vector<16xf32>
        %parallel_loop3A_119 = arith.mulf %parallel_loop3A_118, %get3A_10 : vector<16xf32>
        %parallel_loop3A_120 = arith.constant 1.000000e+00 : f32
        %parallel_loop3A_121 = vector.broadcast %parallel_loop3A_120 : f32 to vector<16xf32>
        %parallel_loop3A_122 = arith.subf %parallel_loop3A_119, %parallel_loop3A_121 : vector<16xf32>
        %parallel_loop3A_123 = arith.subf %parallel_loop3A_114, %get3A_7 : vector<16xf32>
        %parallel_loop3A_124 = arith.constant 2.000000e+00 : f32
        %parallel_loop3A_125 = vector.broadcast %parallel_loop3A_124 : f32 to vector<16xf32>
        %parallel_loop3A_126 = arith.mulf %parallel_loop3A_123, %parallel_loop3A_125 : vector<16xf32>
        %parallel_loop3A_127 = arith.mulf %parallel_loop3A_126, %get3A_13 : vector<16xf32>
        %parallel_loop3A_128 = arith.constant 1.000000e+00 : f32
        %parallel_loop3A_129 = vector.broadcast %parallel_loop3A_128 : f32 to vector<16xf32>
        %parallel_loop3A_130 = arith.subf %parallel_loop3A_127, %parallel_loop3A_129 : vector<16xf32>
        %parallel_loop3A_131 = arith.constant 1.000000e+00 : f32
        %parallel_loop3A_132 = vector.broadcast %parallel_loop3A_131 : f32 to vector<16xf32>
        %parallel_loop3A_133 = arith.addf %parallel_loop3A_122, %parallel_loop3A_132 : vector<16xf32>
        %parallel_loop3A_134 = arith.constant 5.000000e-01 : f32
        %parallel_loop3A_135 = vector.broadcast %parallel_loop3A_134 : f32 to vector<16xf32>
        %parallel_loop3A_136 = arith.mulf %parallel_loop3A_133, %parallel_loop3A_135 : vector<16xf32>
        %parallel_loop3A_137 = arith.constant 8.191000e+03 : f32
        %parallel_loop3A_138 = vector.broadcast %parallel_loop3A_137 : f32 to vector<16xf32>
        %parallel_loop3A_139 = arith.mulf %parallel_loop3A_136, %parallel_loop3A_138 : vector<16xf32>
        %parallel_loop3A_140 = arith.constant 1.000000e+00 : f32
        %parallel_loop3A_141 = vector.broadcast %parallel_loop3A_140 : f32 to vector<16xf32>
        %parallel_loop3A_142 = arith.addf %parallel_loop3A_130, %parallel_loop3A_141 : vector<16xf32>
        %parallel_loop3A_143 = arith.constant 5.000000e-01 : f32
        %parallel_loop3A_144 = vector.broadcast %parallel_loop3A_143 : f32 to vector<16xf32>
        %parallel_loop3A_145 = arith.mulf %parallel_loop3A_142, %parallel_loop3A_144 : vector<16xf32>
        %parallel_loop3A_146 = arith.constant 8.191000e+03 : f32
        %parallel_loop3A_147 = vector.broadcast %parallel_loop3A_146 : f32 to vector<16xf32>
        %parallel_loop3A_148 = arith.mulf %parallel_loop3A_145, %parallel_loop3A_147 : vector<16xf32>
        %parallel_loop3A_149 = arith.fptosi %parallel_loop3A_139 : vector<16xf32> to vector<16xi32>
        %parallel_loop3A_150 = arith.constant 0 : i32
        %parallel_loop3A_151 = vector.broadcast %parallel_loop3A_150 : i32 to vector<16xi32>
        %parallel_loop3A_152 = arith.maxsi %parallel_loop3A_149, %parallel_loop3A_151 : vector<16xi32>
        %parallel_loop3A_153 = arith.constant 8190 : i32
        %parallel_loop3A_154 = vector.broadcast %parallel_loop3A_153 : i32 to vector<16xi32>
        %parallel_loop3A_155 = arith.minsi %parallel_loop3A_152, %parallel_loop3A_154 : vector<16xi32>
        %parallel_loop3A_156 = arith.fptosi %parallel_loop3A_148 : vector<16xf32> to vector<16xi32>
        %parallel_loop3A_157 = arith.constant 0 : i32
        %parallel_loop3A_158 = vector.broadcast %parallel_loop3A_157 : i32 to vector<16xi32>
        %parallel_loop3A_159 = arith.maxsi %parallel_loop3A_156, %parallel_loop3A_158 : vector<16xi32>
        %parallel_loop3A_160 = arith.constant 8190 : i32
        %parallel_loop3A_161 = vector.broadcast %parallel_loop3A_160 : i32 to vector<16xi32>
        %parallel_loop3A_162 = arith.minsi %parallel_loop3A_159, %parallel_loop3A_161 : vector<16xi32>
        %parallel_loop3A_163 = arith.sitofp %parallel_loop3A_155 : vector<16xi32> to vector<16xf32>
        %parallel_loop3A_164 = arith.subf %parallel_loop3A_139, %parallel_loop3A_163 : vector<16xf32>
        %parallel_loop3A_165 = arith.index_cast %parallel_loop3A_108 : i32 to index
        %parallel_loop3A_166 = tpu.vector_load %arg18[%parallel_loop3A_165] {strides = array<i32>} : memref<4096xf32, #tpu.memory_space<vmem>>, vector<16xf32>,
        %parallel_loop3A_167 = vector.shape_cast %parallel_loop3A_166 : vector<16xf32> to vector<16xf32>
        %parallel_loop3A_168 = vector.shape_cast %parallel_loop3A_164 : vector<16xf32> to vector<16xf32>
        tpu.vector_store %arg18[%parallel_loop3A_165], %parallel_loop3A_168 {strides = array<i32>} : memref<4096xf32, #tpu.memory_space<vmem>>, vector<16xf32>,
        %parallel_loop3A_169 = arith.sitofp %parallel_loop3A_162 : vector<16xi32> to vector<16xf32>
        %parallel_loop3A_170 = arith.subf %parallel_loop3A_148, %parallel_loop3A_169 : vector<16xf32>
        %parallel_loop3A_171 = arith.index_cast %parallel_loop3A_108 : i32 to index
        %parallel_loop3A_172 = tpu.vector_load %arg19[%parallel_loop3A_171] {strides = array<i32>} : memref<4096xf32, #tpu.memory_space<vmem>>, vector<16xf32>,
        %parallel_loop3A_173 = vector.shape_cast %parallel_loop3A_172 : vector<16xf32> to vector<16xf32>
        %parallel_loop3A_174 = vector.shape_cast %parallel_loop3A_170 : vector<16xf32> to vector<16xf32>
        tpu.vector_store %arg19[%parallel_loop3A_171], %parallel_loop3A_174 {strides = array<i32>} : memref<4096xf32, #tpu.memory_space<vmem>>, vector<16xf32>,
        %parallel_loop3A_175 = arith.constant 8192 : i32
        %parallel_loop3A_176 = vector.broadcast %parallel_loop3A_175 : i32 to vector<16xi32>
        %parallel_loop3A_177 = arith.muli %parallel_loop3A_162, %parallel_loop3A_176 : vector<16xi32>
        %parallel_loop3A_178 = arith.addi %parallel_loop3A_177, %parallel_loop3A_155 : vector<16xi32>
        %parallel_loop3A_179 = arith.index_cast %parallel_loop3A_108 : i32 to index
        %parallel_loop3A_180 = tpu.vector_load %arg20[%parallel_loop3A_179] {strides = array<i32>} : memref<16384xi32, #tpu.memory_space<vmem>>, vector<16xi32>,
        %parallel_loop3A_181 = vector.shape_cast %parallel_loop3A_180 : vector<16xi32> to vector<16xi32>
        %parallel_loop3A_182 = vector.shape_cast %parallel_loop3A_178 : vector<16xi32> to vector<16xi32>
        tpu.vector_store %arg20[%parallel_loop3A_179], %parallel_loop3A_182 {strides = array<i32>} : memref<16384xi32, #tpu.memory_space<vmem>>, vector<16xi32>,
        %parallel_loop3A_183 = arith.constant 1 : i32
        %parallel_loop3A_184 = vector.broadcast %parallel_loop3A_183 : i32 to vector<16xi32>
        %parallel_loop3A_185 = arith.addi %parallel_loop3A_178, %parallel_loop3A_184 : vector<16xi32>
        %parallel_loop3A_186 = arith.constant 4096 : i32
        %parallel_loop3A_187 = arith.addi %parallel_loop3A_186, %parallel_loop3A_108 : i32
        %parallel_loop3A_188 = arith.index_cast %parallel_loop3A_187 : i32 to index
        %parallel_loop3A_189 = tpu.vector_load %arg20[%parallel_loop3A_188] {strides = array<i32>} : memref<16384xi32, #tpu.memory_space<vmem>>, vector<16xi32>,
        %parallel_loop3A_190 = vector.shape_cast %parallel_loop3A_189 : vector<16xi32> to vector<16xi32>
        %parallel_loop3A_191 = vector.shape_cast %parallel_loop3A_185 : vector<16xi32> to vector<16xi32>
        tpu.vector_store %arg20[%parallel_loop3A_188], %parallel_loop3A_191 {strides = array<i32>} : memref<16384xi32, #tpu.memory_space<vmem>>, vector<16xi32>,
        %parallel_loop3A_192 = arith.constant 8192 : i32
        %parallel_loop3A_193 = vector.broadcast %parallel_loop3A_192 : i32 to vector<16xi32>
        %parallel_loop3A_194 = arith.addi %parallel_loop3A_178, %parallel_loop3A_193 : vector<16xi32>
        %parallel_loop3A_195 = arith.constant 8192 : i32
        %parallel_loop3A_196 = arith.addi %parallel_loop3A_195, %parallel_loop3A_108 : i32
        %parallel_loop3A_197 = arith.index_cast %parallel_loop3A_196 : i32 to index
        %parallel_loop3A_198 = tpu.vector_load %arg20[%parallel_loop3A_197] {strides = array<i32>} : memref<16384xi32, #tpu.memory_space<vmem>>, vector<16xi32>,
        %parallel_loop3A_199 = vector.shape_cast %parallel_loop3A_198 : vector<16xi32> to vector<16xi32>
        %parallel_loop3A_200 = vector.shape_cast %parallel_loop3A_194 : vector<16xi32> to vector<16xi32>
        tpu.vector_store %arg20[%parallel_loop3A_197], %parallel_loop3A_200 {strides = array<i32>} : memref<16384xi32, #tpu.memory_space<vmem>>, vector<16xi32>,
        %parallel_loop3A_201 = arith.constant 8193 : i32
        %parallel_loop3A_202 = vector.broadcast %parallel_loop3A_201 : i32 to vector<16xi32>
        %parallel_loop3A_203 = arith.addi %parallel_loop3A_178, %parallel_loop3A_202 : vector<16xi32>
        %parallel_loop3A_204 = arith.constant 12288 : i32
        %parallel_loop3A_205 = arith.addi %parallel_loop3A_204, %parallel_loop3A_108 : i32
        %parallel_loop3A_206 = arith.index_cast %parallel_loop3A_205 : i32 to index
        %parallel_loop3A_207 = tpu.vector_load %arg20[%parallel_loop3A_206] {strides = array<i32>} : memref<16384xi32, #tpu.memory_space<vmem>>, vector<16xi32>,
        %parallel_loop3A_208 = vector.shape_cast %parallel_loop3A_207 : vector<16xi32> to vector<16xi32>
        %parallel_loop3A_209 = vector.shape_cast %parallel_loop3A_203 : vector<16xi32> to vector<16xi32>
        tpu.vector_store %arg20[%parallel_loop3A_206], %parallel_loop3A_209 {strides = array<i32>} : memref<16384xi32, #tpu.memory_space<vmem>>, vector<16xi32>,
      } {sc.loop_unroll_factor = 4 : i64, sc.parallel_access}
      %scan3A_59 = arith.constant 0 : i32
      %scan3A_60 = arith.constant 128 : i32
      %scan3A_61 = arith.addi %scan3A_59, %scan3A_60 : i32
      %scan3A_62 = arith.constant 1 : i32
      scf.for %scan3A_106 = %scan3A_59 to %scan3A_61 step %scan3A_62  : i32 {
        %mul3A_107 = arith.constant 128 : i32
        %mul3A_108 = arith.muli %scan3A_106, %mul3A_107 : i32
        %dma_start3A_109 = tpu.memref_slice %arg21[%mul3A_108] : memref<16384xf32, #tpu.memory_space<vmem>> -> memref<128xf32, #tpu.memory_space<vmem>>
        %dma_start3A_110 = tpu.memref_slice %arg20[%mul3A_108] : memref<16384xi32, #tpu.memory_space<vmem>> -> memref<128xi32, #tpu.memory_space<vmem>>
        %dma_start3A_111 = arith.constant 0 : i32
        %dma_start3A_112 = tpu.memref_slice %arg4[%dma_start3A_111] : memref<67108864xf32, #tpu.memory_space<hbm>> -> memref<67108864xf32, #tpu.memory_space<hbm>>
        tpu.enqueue_indirect_dma source(%dma_start3A_112 : memref<67108864xf32, #tpu.memory_space<hbm>>) target(%dma_start3A_109 : memref<128xf32, #tpu.memory_space<vmem>>) offsets(%dma_start3A_110 : memref<128xi32, #tpu.memory_space<vmem>>) semaphore(%arg23 : memref<!tpu.dma_semaphore, #tpu.memory_space<semaphore_mem>>)
      }
      %scan3A_63 = arith.constant 128 : i32
      %add3A_64 = arith.constant 2 : i32
      %add3A_65 = arith.addi %mul3A_45, %add3A_64 : i32
      %lt3A = arith.constant 16 : i32
      %lt3A_66 = arith.cmpi slt, %add3A_65, %lt3A : i32
      %convert_element_type3A = arith.extui %lt3A_66 : i1 to i32
      %cond3A = arith.constant 0 : i32
      %cond3A_67 = arith.cmpi ne, %convert_element_type3A, %cond3A : i32
      scf.if %cond3A_67 {
        %add3A_106 = arith.constant 2 : i32
        %add3A_107 = arith.addi %mul3A_45, %add3A_106 : i32
        %mul3A_108 = arith.constant 4096 : i32
        %mul3A_109 = arith.muli %add3A_107, %mul3A_108 : i32
        %add3A_110 = arith.addi %mul3A_2, %mul3A_109 : i32
        %multiple_of3A_111 = tpu.assume_multiple %add3A_110, 8 : i32
        %dma_start3A_112 = tpu.memref_slice %arg2[%multiple_of3A_111] : memref<2097152xf32, #tpu.memory_space<hbm>> -> memref<4096xf32, #tpu.memory_space<hbm>>
        %dma_start3A_113 = tpu.memref_slice %arg2[%multiple_of3A_111] : memref<2097152xf32, #tpu.memory_space<hbm>> -> memref<4096xf32, #tpu.memory_space<hbm>>
        tpu.enqueue_dma source(%dma_start3A_113 : memref<4096xf32, #tpu.memory_space<hbm>>) target(%arg7 : memref<4096xf32, #tpu.memory_space<vmem>>) target_semaphore(%arg15 : memref<!tpu.dma_semaphore, #tpu.memory_space<semaphore_mem>>)
        %dma_start3A_114 = tpu.memref_slice %arg3[%multiple_of3A_111] : memref<2097152xf32, #tpu.memory_space<hbm>> -> memref<4096xf32, #tpu.memory_space<hbm>>
        %dma_start3A_115 = tpu.memref_slice %arg3[%multiple_of3A_111] : memref<2097152xf32, #tpu.memory_space<hbm>> -> memref<4096xf32, #tpu.memory_space<hbm>>
        tpu.enqueue_dma source(%dma_start3A_115 : memref<4096xf32, #tpu.memory_space<hbm>>) target(%arg8 : memref<4096xf32, #tpu.memory_space<vmem>>) target_semaphore(%arg15 : memref<!tpu.dma_semaphore, #tpu.memory_space<semaphore_mem>>)
      } else {
      }
      %mul3A_68 = arith.constant 4096 : i32
      %mul3A_69 = arith.muli %mul3A_45, %mul3A_68 : i32
      %add3A_70 = arith.addi %mul3A_2, %mul3A_69 : i32
      %multiple_of3A_71 = tpu.assume_multiple %add3A_70, 8 : i32
      %dma_wait3A_72 = arith.constant 0 : i32
      %dma_wait3A_73 = tpu.memref_slice %arg4[%dma_wait3A_72] : memref<67108864xf32, #tpu.memory_space<hbm>> -> memref<16384xf32, #tpu.memory_space<hbm>>
      %dma_wait3A_74 = arith.constant 0 : i32
      %dma_wait3A_75 = tpu.memref_slice %arg4[%dma_wait3A_74] : memref<67108864xf32, #tpu.memory_space<hbm>> -> memref<16384xf32, #tpu.memory_space<hbm>>
      tpu.wait_dma2 semaphore(%arg14 : memref<!tpu.dma_semaphore, #tpu.memory_space<semaphore_mem>>) src(%dma_wait3A_75 : memref<16384xf32, #tpu.memory_space<hbm>>) dst(%arg12 : memref<16384xf32, #tpu.memory_space<vmem>>)
      %parallel_loop3A_76 = arith.constant 0 : i32
      %parallel_loop3A_77 = arith.constant 256 : i32
      %parallel_loop3A_78 = arith.constant 1 : i32
      scf.for %parallel_loop3A_106 = %parallel_loop3A_76 to %parallel_loop3A_77 step %parallel_loop3A_78  : i32 {
        %parallel_loop3A_107 = arith.constant 16 : i32
        %parallel_loop3A_108 = arith.muli %parallel_loop3A_106, %parallel_loop3A_107 : i32
        %parallel_loop3A_109 = arith.index_cast %parallel_loop3A_108 : i32 to index
        %parallel_loop3A_110 = tpu.vector_load %arg12[%parallel_loop3A_109] {strides = array<i32>} : memref<16384xf32, #tpu.memory_space<vmem>>, vector<16xf32>,
        %parallel_loop3A_111 = vector.shape_cast %parallel_loop3A_110 : vector<16xf32> to vector<16xf32>
        %parallel_loop3A_112 = arith.constant 4096 : i32
        %parallel_loop3A_113 = arith.addi %parallel_loop3A_112, %parallel_loop3A_108 : i32
        %parallel_loop3A_114 = arith.index_cast %parallel_loop3A_113 : i32 to index
        %parallel_loop3A_115 = tpu.vector_load %arg12[%parallel_loop3A_114] {strides = array<i32>} : memref<16384xf32, #tpu.memory_space<vmem>>, vector<16xf32>,
        %parallel_loop3A_116 = vector.shape_cast %parallel_loop3A_115 : vector<16xf32> to vector<16xf32>
        %parallel_loop3A_117 = arith.constant 8192 : i32
        %parallel_loop3A_118 = arith.addi %parallel_loop3A_117, %parallel_loop3A_108 : i32
        %parallel_loop3A_119 = arith.index_cast %parallel_loop3A_118 : i32 to index
        %parallel_loop3A_120 = tpu.vector_load %arg12[%parallel_loop3A_119] {strides = array<i32>} : memref<16384xf32, #tpu.memory_space<vmem>>, vector<16xf32>,
        %parallel_loop3A_121 = vector.shape_cast %parallel_loop3A_120 : vector<16xf32> to vector<16xf32>
        %parallel_loop3A_122 = arith.constant 12288 : i32
        %parallel_loop3A_123 = arith.addi %parallel_loop3A_122, %parallel_loop3A_108 : i32
        %parallel_loop3A_124 = arith.index_cast %parallel_loop3A_123 : i32 to index
        %parallel_loop3A_125 = tpu.vector_load %arg12[%parallel_loop3A_124] {strides = array<i32>} : memref<16384xf32, #tpu.memory_space<vmem>>, vector<16xf32>,
        %parallel_loop3A_126 = vector.shape_cast %parallel_loop3A_125 : vector<16xf32> to vector<16xf32>
        %parallel_loop3A_127 = arith.index_cast %parallel_loop3A_108 : i32 to index
        %parallel_loop3A_128 = tpu.vector_load %arg9[%parallel_loop3A_127] {strides = array<i32>} : memref<4096xf32, #tpu.memory_space<vmem>>, vector<16xf32>,
        %parallel_loop3A_129 = vector.shape_cast %parallel_loop3A_128 : vector<16xf32> to vector<16xf32>
        %parallel_loop3A_130 = arith.index_cast %parallel_loop3A_108 : i32 to index
        %parallel_loop3A_131 = tpu.vector_load %arg10[%parallel_loop3A_130] {strides = array<i32>} : memref<4096xf32, #tpu.memory_space<vmem>>, vector<16xf32>,
        %parallel_loop3A_132 = vector.shape_cast %parallel_loop3A_131 : vector<16xf32> to vector<16xf32>
        %parallel_loop3A_133 = arith.constant 1.000000e+00 : f32
        %parallel_loop3A_134 = vector.broadcast %parallel_loop3A_133 : f32 to vector<16xf32>
        %parallel_loop3A_135 = arith.subf %parallel_loop3A_134, %parallel_loop3A_129 : vector<16xf32>
        %parallel_loop3A_136 = arith.constant 1.000000e+00 : f32
        %parallel_loop3A_137 = vector.broadcast %parallel_loop3A_136 : f32 to vector<16xf32>
        %parallel_loop3A_138 = arith.subf %parallel_loop3A_137, %parallel_loop3A_132 : vector<16xf32>
        %parallel_loop3A_139 = arith.mulf %parallel_loop3A_111, %parallel_loop3A_138 : vector<16xf32>
        %parallel_loop3A_140 = arith.mulf %parallel_loop3A_139, %parallel_loop3A_135 : vector<16xf32>
        %parallel_loop3A_141 = arith.mulf %parallel_loop3A_116, %parallel_loop3A_138 : vector<16xf32>
        %parallel_loop3A_142 = arith.mulf %parallel_loop3A_141, %parallel_loop3A_129 : vector<16xf32>
        %parallel_loop3A_143 = arith.addf %parallel_loop3A_140, %parallel_loop3A_142 : vector<16xf32>
        %parallel_loop3A_144 = arith.mulf %parallel_loop3A_121, %parallel_loop3A_132 : vector<16xf32>
        %parallel_loop3A_145 = arith.mulf %parallel_loop3A_144, %parallel_loop3A_135 : vector<16xf32>
        %parallel_loop3A_146 = arith.addf %parallel_loop3A_143, %parallel_loop3A_145 : vector<16xf32>
        %parallel_loop3A_147 = arith.mulf %parallel_loop3A_126, %parallel_loop3A_132 : vector<16xf32>
        %parallel_loop3A_148 = arith.mulf %parallel_loop3A_147, %parallel_loop3A_129 : vector<16xf32>
        %parallel_loop3A_149 = arith.addf %parallel_loop3A_146, %parallel_loop3A_148 : vector<16xf32>
        %parallel_loop3A_150 = arith.index_cast %parallel_loop3A_108 : i32 to index
        %parallel_loop3A_151 = tpu.vector_load %arg13[%parallel_loop3A_150] {strides = array<i32>} : memref<4096xf32, #tpu.memory_space<vmem>>, vector<16xf32>,
        %parallel_loop3A_152 = vector.shape_cast %parallel_loop3A_151 : vector<16xf32> to vector<16xf32>
        %parallel_loop3A_153 = vector.shape_cast %parallel_loop3A_149 : vector<16xf32> to vector<16xf32>
        tpu.vector_store %arg13[%parallel_loop3A_150], %parallel_loop3A_153 {strides = array<i32>} : memref<4096xf32, #tpu.memory_space<vmem>>, vector<16xf32>,
      } {sc.loop_unroll_factor = 4 : i64, sc.parallel_access}
      "tpu.region"() ({
        %run_scoped3A = tpu.sem_alloc : memref<!tpu.dma_semaphore, #tpu.memory_space<semaphore_mem>>
        %dma_start3A_106 = tpu.memref_slice %arg6[%multiple_of3A_71] : memref<2097152xf32, #tpu.memory_space<hbm>> -> memref<4096xf32, #tpu.memory_space<hbm>>
        %dma_start3A_107 = tpu.memref_slice %arg6[%multiple_of3A_71] : memref<2097152xf32, #tpu.memory_space<hbm>> -> memref<4096xf32, #tpu.memory_space<hbm>>
        tpu.enqueue_dma source(%arg13 : memref<4096xf32, #tpu.memory_space<vmem>>) target(%dma_start3A_107 : memref<4096xf32, #tpu.memory_space<hbm>>) target_semaphore(%run_scoped3A : memref<!tpu.dma_semaphore, #tpu.memory_space<semaphore_mem>>)
        %dma_wait3A_108 = tpu.memref_slice %arg6[%multiple_of3A_71] : memref<2097152xf32, #tpu.memory_space<hbm>> -> memref<4096xf32, #tpu.memory_space<hbm>>
        %dma_wait3A_109 = tpu.memref_slice %arg6[%multiple_of3A_71] : memref<2097152xf32, #tpu.memory_space<hbm>> -> memref<4096xf32, #tpu.memory_space<hbm>>
        tpu.wait_dma2 semaphore(%run_scoped3A : memref<!tpu.dma_semaphore, #tpu.memory_space<semaphore_mem>>) src(%arg13 : memref<4096xf32, #tpu.memory_space<vmem>>) dst(%dma_wait3A_109 : memref<4096xf32, #tpu.memory_space<hbm>>)
        tpu.yield
      }) : () -> ()
      %add3A_79 = arith.constant 2 : i32
      %add3A_80 = arith.addi %mul3A_45, %add3A_79 : i32
      %lt3A_81 = arith.constant 16 : i32
      %lt3A_82 = arith.cmpi slt, %add3A_80, %lt3A_81 : i32
      %convert_element_type3A_83 = arith.extui %lt3A_82 : i1 to i32
      %cond3A_84 = arith.constant 0 : i32
      %cond3A_85 = arith.cmpi ne, %convert_element_type3A_83, %cond3A_84 : i32
      scf.if %cond3A_85 {
        %add3A_106 = arith.constant 2 : i32
        %add3A_107 = arith.addi %mul3A_45, %add3A_106 : i32
        %mul3A_108 = arith.constant 4096 : i32
        %mul3A_109 = arith.muli %add3A_107, %mul3A_108 : i32
        %add3A_110 = arith.addi %mul3A_2, %mul3A_109 : i32
        %multiple_of3A_111 = tpu.assume_multiple %add3A_110, 8 : i32
        %dma_wait3A_112 = tpu.memref_slice %arg2[%multiple_of3A_111] : memref<2097152xf32, #tpu.memory_space<hbm>> -> memref<4096xf32, #tpu.memory_space<hbm>>
        %dma_wait3A_113 = tpu.memref_slice %arg2[%multiple_of3A_111] : memref<2097152xf32, #tpu.memory_space<hbm>> -> memref<4096xf32, #tpu.memory_space<hbm>>
        tpu.wait_dma2 semaphore(%arg15 : memref<!tpu.dma_semaphore, #tpu.memory_space<semaphore_mem>>) src(%dma_wait3A_113 : memref<4096xf32, #tpu.memory_space<hbm>>) dst(%arg7 : memref<4096xf32, #tpu.memory_space<vmem>>)
        %dma_wait3A_114 = tpu.memref_slice %arg3[%multiple_of3A_111] : memref<2097152xf32, #tpu.memory_space<hbm>> -> memref<4096xf32, #tpu.memory_space<hbm>>
        %dma_wait3A_115 = tpu.memref_slice %arg3[%multiple_of3A_111] : memref<2097152xf32, #tpu.memory_space<hbm>> -> memref<4096xf32, #tpu.memory_space<hbm>>
        tpu.wait_dma2 semaphore(%arg15 : memref<!tpu.dma_semaphore, #tpu.memory_space<semaphore_mem>>) src(%dma_wait3A_115 : memref<4096xf32, #tpu.memory_space<hbm>>) dst(%arg8 : memref<4096xf32, #tpu.memory_space<vmem>>)
        %parallel_loop3A_116 = arith.constant 0 : i32
        %parallel_loop3A_117 = arith.constant 256 : i32
        %parallel_loop3A_118 = arith.constant 1 : i32
        scf.for %parallel_loop3A_124 = %parallel_loop3A_116 to %parallel_loop3A_117 step %parallel_loop3A_118  : i32 {
          %parallel_loop3A_125 = arith.constant 16 : i32
          %parallel_loop3A_126 = arith.muli %parallel_loop3A_124, %parallel_loop3A_125 : i32
          %parallel_loop3A_127 = arith.index_cast %parallel_loop3A_126 : i32 to index
          %parallel_loop3A_128 = tpu.vector_load %arg7[%parallel_loop3A_127] {strides = array<i32>} : memref<4096xf32, #tpu.memory_space<vmem>>, vector<16xf32>,
          %parallel_loop3A_129 = vector.shape_cast %parallel_loop3A_128 : vector<16xf32> to vector<16xf32>
          %parallel_loop3A_130 = arith.index_cast %parallel_loop3A_126 : i32 to index
          %parallel_loop3A_131 = tpu.vector_load %arg8[%parallel_loop3A_130] {strides = array<i32>} : memref<4096xf32, #tpu.memory_space<vmem>>, vector<16xf32>,
          %parallel_loop3A_132 = vector.shape_cast %parallel_loop3A_131 : vector<16xf32> to vector<16xf32>
          %parallel_loop3A_133 = arith.subf %parallel_loop3A_129, %get3A_4 : vector<16xf32>
          %parallel_loop3A_134 = arith.constant 2.000000e+00 : f32
          %parallel_loop3A_135 = vector.broadcast %parallel_loop3A_134 : f32 to vector<16xf32>
          %parallel_loop3A_136 = arith.mulf %parallel_loop3A_133, %parallel_loop3A_135 : vector<16xf32>
          %parallel_loop3A_137 = arith.mulf %parallel_loop3A_136, %get3A_10 : vector<16xf32>
          %parallel_loop3A_138 = arith.constant 1.000000e+00 : f32
          %parallel_loop3A_139 = vector.broadcast %parallel_loop3A_138 : f32 to vector<16xf32>
          %parallel_loop3A_140 = arith.subf %parallel_loop3A_137, %parallel_loop3A_139 : vector<16xf32>
          %parallel_loop3A_141 = arith.subf %parallel_loop3A_132, %get3A_7 : vector<16xf32>
          %parallel_loop3A_142 = arith.constant 2.000000e+00 : f32
          %parallel_loop3A_143 = vector.broadcast %parallel_loop3A_142 : f32 to vector<16xf32>
          %parallel_loop3A_144 = arith.mulf %parallel_loop3A_141, %parallel_loop3A_143 : vector<16xf32>
          %parallel_loop3A_145 = arith.mulf %parallel_loop3A_144, %get3A_13 : vector<16xf32>
          %parallel_loop3A_146 = arith.constant 1.000000e+00 : f32
          %parallel_loop3A_147 = vector.broadcast %parallel_loop3A_146 : f32 to vector<16xf32>
          %parallel_loop3A_148 = arith.subf %parallel_loop3A_145, %parallel_loop3A_147 : vector<16xf32>
          %parallel_loop3A_149 = arith.constant 1.000000e+00 : f32
          %parallel_loop3A_150 = vector.broadcast %parallel_loop3A_149 : f32 to vector<16xf32>
          %parallel_loop3A_151 = arith.addf %parallel_loop3A_140, %parallel_loop3A_150 : vector<16xf32>
          %parallel_loop3A_152 = arith.constant 5.000000e-01 : f32
          %parallel_loop3A_153 = vector.broadcast %parallel_loop3A_152 : f32 to vector<16xf32>
          %parallel_loop3A_154 = arith.mulf %parallel_loop3A_151, %parallel_loop3A_153 : vector<16xf32>
          %parallel_loop3A_155 = arith.constant 8.191000e+03 : f32
          %parallel_loop3A_156 = vector.broadcast %parallel_loop3A_155 : f32 to vector<16xf32>
          %parallel_loop3A_157 = arith.mulf %parallel_loop3A_154, %parallel_loop3A_156 : vector<16xf32>
          %parallel_loop3A_158 = arith.constant 1.000000e+00 : f32
          %parallel_loop3A_159 = vector.broadcast %parallel_loop3A_158 : f32 to vector<16xf32>
          %parallel_loop3A_160 = arith.addf %parallel_loop3A_148, %parallel_loop3A_159 : vector<16xf32>
          %parallel_loop3A_161 = arith.constant 5.000000e-01 : f32
          %parallel_loop3A_162 = vector.broadcast %parallel_loop3A_161 : f32 to vector<16xf32>
          %parallel_loop3A_163 = arith.mulf %parallel_loop3A_160, %parallel_loop3A_162 : vector<16xf32>
          %parallel_loop3A_164 = arith.constant 8.191000e+03 : f32
          %parallel_loop3A_165 = vector.broadcast %parallel_loop3A_164 : f32 to vector<16xf32>
          %parallel_loop3A_166 = arith.mulf %parallel_loop3A_163, %parallel_loop3A_165 : vector<16xf32>
          %parallel_loop3A_167 = arith.fptosi %parallel_loop3A_157 : vector<16xf32> to vector<16xi32>
          %parallel_loop3A_168 = arith.constant 0 : i32
          %parallel_loop3A_169 = vector.broadcast %parallel_loop3A_168 : i32 to vector<16xi32>
          %parallel_loop3A_170 = arith.maxsi %parallel_loop3A_167, %parallel_loop3A_169 : vector<16xi32>
          %parallel_loop3A_171 = arith.constant 8190 : i32
          %parallel_loop3A_172 = vector.broadcast %parallel_loop3A_171 : i32 to vector<16xi32>
          %parallel_loop3A_173 = arith.minsi %parallel_loop3A_170, %parallel_loop3A_172 : vector<16xi32>
          %parallel_loop3A_174 = arith.fptosi %parallel_loop3A_166 : vector<16xf32> to vector<16xi32>
          %parallel_loop3A_175 = arith.constant 0 : i32
          %parallel_loop3A_176 = vector.broadcast %parallel_loop3A_175 : i32 to vector<16xi32>
          %parallel_loop3A_177 = arith.maxsi %parallel_loop3A_174, %parallel_loop3A_176 : vector<16xi32>
          %parallel_loop3A_178 = arith.constant 8190 : i32
          %parallel_loop3A_179 = vector.broadcast %parallel_loop3A_178 : i32 to vector<16xi32>
          %parallel_loop3A_180 = arith.minsi %parallel_loop3A_177, %parallel_loop3A_179 : vector<16xi32>
          %parallel_loop3A_181 = arith.sitofp %parallel_loop3A_173 : vector<16xi32> to vector<16xf32>
          %parallel_loop3A_182 = arith.subf %parallel_loop3A_157, %parallel_loop3A_181 : vector<16xf32>
          %parallel_loop3A_183 = arith.index_cast %parallel_loop3A_126 : i32 to index
          %parallel_loop3A_184 = tpu.vector_load %arg9[%parallel_loop3A_183] {strides = array<i32>} : memref<4096xf32, #tpu.memory_space<vmem>>, vector<16xf32>,
          %parallel_loop3A_185 = vector.shape_cast %parallel_loop3A_184 : vector<16xf32> to vector<16xf32>
          %parallel_loop3A_186 = vector.shape_cast %parallel_loop3A_182 : vector<16xf32> to vector<16xf32>
          tpu.vector_store %arg9[%parallel_loop3A_183], %parallel_loop3A_186 {strides = array<i32>} : memref<4096xf32, #tpu.memory_space<vmem>>, vector<16xf32>,
          %parallel_loop3A_187 = arith.sitofp %parallel_loop3A_180 : vector<16xi32> to vector<16xf32>
          %parallel_loop3A_188 = arith.subf %parallel_loop3A_166, %parallel_loop3A_187 : vector<16xf32>
          %parallel_loop3A_189 = arith.index_cast %parallel_loop3A_126 : i32 to index
          %parallel_loop3A_190 = tpu.vector_load %arg10[%parallel_loop3A_189] {strides = array<i32>} : memref<4096xf32, #tpu.memory_space<vmem>>, vector<16xf32>,
          %parallel_loop3A_191 = vector.shape_cast %parallel_loop3A_190 : vector<16xf32> to vector<16xf32>
          %parallel_loop3A_192 = vector.shape_cast %parallel_loop3A_188 : vector<16xf32> to vector<16xf32>
          tpu.vector_store %arg10[%parallel_loop3A_189], %parallel_loop3A_192 {strides = array<i32>} : memref<4096xf32, #tpu.memory_space<vmem>>, vector<16xf32>,
          %parallel_loop3A_193 = arith.constant 8192 : i32
          %parallel_loop3A_194 = vector.broadcast %parallel_loop3A_193 : i32 to vector<16xi32>
          %parallel_loop3A_195 = arith.muli %parallel_loop3A_180, %parallel_loop3A_194 : vector<16xi32>
          %parallel_loop3A_196 = arith.addi %parallel_loop3A_195, %parallel_loop3A_173 : vector<16xi32>
          %parallel_loop3A_197 = arith.index_cast %parallel_loop3A_126 : i32 to index
          %parallel_loop3A_198 = tpu.vector_load %arg11[%parallel_loop3A_197] {strides = array<i32>} : memref<16384xi32, #tpu.memory_space<vmem>>, vector<16xi32>,
          %parallel_loop3A_199 = vector.shape_cast %parallel_loop3A_198 : vector<16xi32> to vector<16xi32>
          %parallel_loop3A_200 = vector.shape_cast %parallel_loop3A_196 : vector<16xi32> to vector<16xi32>
          tpu.vector_store %arg11[%parallel_loop3A_197], %parallel_loop3A_200 {strides = array<i32>} : memref<16384xi32, #tpu.memory_space<vmem>>, vector<16xi32>,
          %parallel_loop3A_201 = arith.constant 1 : i32
          %parallel_loop3A_202 = vector.broadcast %parallel_loop3A_201 : i32 to vector<16xi32>
          %parallel_loop3A_203 = arith.addi %parallel_loop3A_196, %parallel_loop3A_202 : vector<16xi32>
          %parallel_loop3A_204 = arith.constant 4096 : i32
          %parallel_loop3A_205 = arith.addi %parallel_loop3A_204, %parallel_loop3A_126 : i32
          %parallel_loop3A_206 = arith.index_cast %parallel_loop3A_205 : i32 to index
          %parallel_loop3A_207 = tpu.vector_load %arg11[%parallel_loop3A_206] {strides = array<i32>} : memref<16384xi32, #tpu.memory_space<vmem>>, vector<16xi32>,
          %parallel_loop3A_208 = vector.shape_cast %parallel_loop3A_207 : vector<16xi32> to vector<16xi32>
          %parallel_loop3A_209 = vector.shape_cast %parallel_loop3A_203 : vector<16xi32> to vector<16xi32>
          tpu.vector_store %arg11[%parallel_loop3A_206], %parallel_loop3A_209 {strides = array<i32>} : memref<16384xi32, #tpu.memory_space<vmem>>, vector<16xi32>,
          %parallel_loop3A_210 = arith.constant 8192 : i32
          %parallel_loop3A_211 = vector.broadcast %parallel_loop3A_210 : i32 to vector<16xi32>
          %parallel_loop3A_212 = arith.addi %parallel_loop3A_196, %parallel_loop3A_211 : vector<16xi32>
          %parallel_loop3A_213 = arith.constant 8192 : i32
          %parallel_loop3A_214 = arith.addi %parallel_loop3A_213, %parallel_loop3A_126 : i32
          %parallel_loop3A_215 = arith.index_cast %parallel_loop3A_214 : i32 to index
          %parallel_loop3A_216 = tpu.vector_load %arg11[%parallel_loop3A_215] {strides = array<i32>} : memref<16384xi32, #tpu.memory_space<vmem>>, vector<16xi32>,
          %parallel_loop3A_217 = vector.shape_cast %parallel_loop3A_216 : vector<16xi32> to vector<16xi32>
          %parallel_loop3A_218 = vector.shape_cast %parallel_loop3A_212 : vector<16xi32> to vector<16xi32>
          tpu.vector_store %arg11[%parallel_loop3A_215], %parallel_loop3A_218 {strides = array<i32>} : memref<16384xi32, #tpu.memory_space<vmem>>, vector<16xi32>,
          %parallel_loop3A_219 = arith.constant 8193 : i32
          %parallel_loop3A_220 = vector.broadcast %parallel_loop3A_219 : i32 to vector<16xi32>
          %parallel_loop3A_221 = arith.addi %parallel_loop3A_196, %parallel_loop3A_220 : vector<16xi32>
          %parallel_loop3A_222 = arith.constant 12288 : i32
          %parallel_loop3A_223 = arith.addi %parallel_loop3A_222, %parallel_loop3A_126 : i32
          %parallel_loop3A_224 = arith.index_cast %parallel_loop3A_223 : i32 to index
          %parallel_loop3A_225 = tpu.vector_load %arg11[%parallel_loop3A_224] {strides = array<i32>} : memref<16384xi32, #tpu.memory_space<vmem>>, vector<16xi32>,
          %parallel_loop3A_226 = vector.shape_cast %parallel_loop3A_225 : vector<16xi32> to vector<16xi32>
          %parallel_loop3A_227 = vector.shape_cast %parallel_loop3A_221 : vector<16xi32> to vector<16xi32>
          tpu.vector_store %arg11[%parallel_loop3A_224], %parallel_loop3A_227 {strides = array<i32>} : memref<16384xi32, #tpu.memory_space<vmem>>, vector<16xi32>,
        } {sc.loop_unroll_factor = 4 : i64, sc.parallel_access}
        %scan3A_119 = arith.constant 0 : i32
        %scan3A_120 = arith.constant 128 : i32
        %scan3A_121 = arith.addi %scan3A_119, %scan3A_120 : i32
        %scan3A_122 = arith.constant 1 : i32
        scf.for %scan3A_124 = %scan3A_119 to %scan3A_121 step %scan3A_122  : i32 {
          %mul3A_125 = arith.constant 128 : i32
          %mul3A_126 = arith.muli %scan3A_124, %mul3A_125 : i32
          %dma_start3A_127 = tpu.memref_slice %arg12[%mul3A_126] : memref<16384xf32, #tpu.memory_space<vmem>> -> memref<128xf32, #tpu.memory_space<vmem>>
          %dma_start3A_128 = tpu.memref_slice %arg11[%mul3A_126] : memref<16384xi32, #tpu.memory_space<vmem>> -> memref<128xi32, #tpu.memory_space<vmem>>
          %dma_start3A_129 = arith.constant 0 : i32
          %dma_start3A_130 = tpu.memref_slice %arg4[%dma_start3A_129] : memref<67108864xf32, #tpu.memory_space<hbm>> -> memref<67108864xf32, #tpu.memory_space<hbm>>
          tpu.enqueue_indirect_dma source(%dma_start3A_130 : memref<67108864xf32, #tpu.memory_space<hbm>>) target(%dma_start3A_127 : memref<128xf32, #tpu.memory_space<vmem>>) offsets(%dma_start3A_128 : memref<128xi32, #tpu.memory_space<vmem>>) semaphore(%arg14 : memref<!tpu.dma_semaphore, #tpu.memory_space<semaphore_mem>>)
        }
        %scan3A_123 = arith.constant 128 : i32
      } else {
      }
      %add3A_86 = arith.constant 3 : i32
      %add3A_87 = arith.addi %mul3A_45, %add3A_86 : i32
      %lt3A_88 = arith.constant 16 : i32
      %lt3A_89 = arith.cmpi slt, %add3A_87, %lt3A_88 : i32
      %convert_element_type3A_90 = arith.extui %lt3A_89 : i1 to i32
      %cond3A_91 = arith.constant 0 : i32
      %cond3A_92 = arith.cmpi ne, %convert_element_type3A_90, %cond3A_91 : i32
      scf.if %cond3A_92 {
        %add3A_106 = arith.constant 3 : i32
        %add3A_107 = arith.addi %mul3A_45, %add3A_106 : i32
        %mul3A_108 = arith.constant 4096 : i32
        %mul3A_109 = arith.muli %add3A_107, %mul3A_108 : i32
        %add3A_110 = arith.addi %mul3A_2, %mul3A_109 : i32
        %multiple_of3A_111 = tpu.assume_multiple %add3A_110, 8 : i32
        %dma_start3A_112 = tpu.memref_slice %arg2[%multiple_of3A_111] : memref<2097152xf32, #tpu.memory_space<hbm>> -> memref<4096xf32, #tpu.memory_space<hbm>>
        %dma_start3A_113 = tpu.memref_slice %arg2[%multiple_of3A_111] : memref<2097152xf32, #tpu.memory_space<hbm>> -> memref<4096xf32, #tpu.memory_space<hbm>>
        tpu.enqueue_dma source(%dma_start3A_113 : memref<4096xf32, #tpu.memory_space<hbm>>) target(%arg16 : memref<4096xf32, #tpu.memory_space<vmem>>) target_semaphore(%arg24 : memref<!tpu.dma_semaphore, #tpu.memory_space<semaphore_mem>>)
        %dma_start3A_114 = tpu.memref_slice %arg3[%multiple_of3A_111] : memref<2097152xf32, #tpu.memory_space<hbm>> -> memref<4096xf32, #tpu.memory_space<hbm>>
        %dma_start3A_115 = tpu.memref_slice %arg3[%multiple_of3A_111] : memref<2097152xf32, #tpu.memory_space<hbm>> -> memref<4096xf32, #tpu.memory_space<hbm>>
        tpu.enqueue_dma source(%dma_start3A_115 : memref<4096xf32, #tpu.memory_space<hbm>>) target(%arg17 : memref<4096xf32, #tpu.memory_space<vmem>>) target_semaphore(%arg24 : memref<!tpu.dma_semaphore, #tpu.memory_space<semaphore_mem>>)
      } else {
      }
      %add3A_93 = arith.constant 1 : i32
      %add3A_94 = arith.addi %mul3A_45, %add3A_93 : i32
      %mul3A_95 = arith.constant 4096 : i32
      %mul3A_96 = arith.muli %add3A_94, %mul3A_95 : i32
      %add3A_97 = arith.addi %mul3A_2, %mul3A_96 : i32
      %multiple_of3A_98 = tpu.assume_multiple %add3A_97, 8 : i32
      %dma_wait3A_99 = arith.constant 0 : i32
      %dma_wait3A_100 = tpu.memref_slice %arg4[%dma_wait3A_99] : memref<67108864xf32, #tpu.memory_space<hbm>> -> memref<16384xf32, #tpu.memory_space<hbm>>
      %dma_wait3A_101 = arith.constant 0 : i32
      %dma_wait3A_102 = tpu.memref_slice %arg4[%dma_wait3A_101] : memref<67108864xf32, #tpu.memory_space<hbm>> -> memref<16384xf32, #tpu.memory_space<hbm>>
      tpu.wait_dma2 semaphore(%arg23 : memref<!tpu.dma_semaphore, #tpu.memory_space<semaphore_mem>>) src(%dma_wait3A_102 : memref<16384xf32, #tpu.memory_space<hbm>>) dst(%arg21 : memref<16384xf32, #tpu.memory_space<vmem>>)
      %parallel_loop3A_103 = arith.constant 0 : i32
      %parallel_loop3A_104 = arith.constant 256 : i32
      %parallel_loop3A_105 = arith.constant 1 : i32
      scf.for %parallel_loop3A_106 = %parallel_loop3A_103 to %parallel_loop3A_104 step %parallel_loop3A_105  : i32 {
        %parallel_loop3A_107 = arith.constant 16 : i32
        %parallel_loop3A_108 = arith.muli %parallel_loop3A_106, %parallel_loop3A_107 : i32
        %parallel_loop3A_109 = arith.index_cast %parallel_loop3A_108 : i32 to index
        %parallel_loop3A_110 = tpu.vector_load %arg21[%parallel_loop3A_109] {strides = array<i32>} : memref<16384xf32, #tpu.memory_space<vmem>>, vector<16xf32>,
        %parallel_loop3A_111 = vector.shape_cast %parallel_loop3A_110 : vector<16xf32> to vector<16xf32>
        %parallel_loop3A_112 = arith.constant 4096 : i32
        %parallel_loop3A_113 = arith.addi %parallel_loop3A_112, %parallel_loop3A_108 : i32
        %parallel_loop3A_114 = arith.index_cast %parallel_loop3A_113 : i32 to index
        %parallel_loop3A_115 = tpu.vector_load %arg21[%parallel_loop3A_114] {strides = array<i32>} : memref<16384xf32, #tpu.memory_space<vmem>>, vector<16xf32>,
        %parallel_loop3A_116 = vector.shape_cast %parallel_loop3A_115 : vector<16xf32> to vector<16xf32>
        %parallel_loop3A_117 = arith.constant 8192 : i32
        %parallel_loop3A_118 = arith.addi %parallel_loop3A_117, %parallel_loop3A_108 : i32
        %parallel_loop3A_119 = arith.index_cast %parallel_loop3A_118 : i32 to index
        %parallel_loop3A_120 = tpu.vector_load %arg21[%parallel_loop3A_119] {strides = array<i32>} : memref<16384xf32, #tpu.memory_space<vmem>>, vector<16xf32>,
        %parallel_loop3A_121 = vector.shape_cast %parallel_loop3A_120 : vector<16xf32> to vector<16xf32>
        %parallel_loop3A_122 = arith.constant 12288 : i32
        %parallel_loop3A_123 = arith.addi %parallel_loop3A_122, %parallel_loop3A_108 : i32
        %parallel_loop3A_124 = arith.index_cast %parallel_loop3A_123 : i32 to index
        %parallel_loop3A_125 = tpu.vector_load %arg21[%parallel_loop3A_124] {strides = array<i32>} : memref<16384xf32, #tpu.memory_space<vmem>>, vector<16xf32>,
        %parallel_loop3A_126 = vector.shape_cast %parallel_loop3A_125 : vector<16xf32> to vector<16xf32>
        %parallel_loop3A_127 = arith.index_cast %parallel_loop3A_108 : i32 to index
        %parallel_loop3A_128 = tpu.vector_load %arg18[%parallel_loop3A_127] {strides = array<i32>} : memref<4096xf32, #tpu.memory_space<vmem>>, vector<16xf32>,
        %parallel_loop3A_129 = vector.shape_cast %parallel_loop3A_128 : vector<16xf32> to vector<16xf32>
        %parallel_loop3A_130 = arith.index_cast %parallel_loop3A_108 : i32 to index
        %parallel_loop3A_131 = tpu.vector_load %arg19[%parallel_loop3A_130] {strides = array<i32>} : memref<4096xf32, #tpu.memory_space<vmem>>, vector<16xf32>,
        %parallel_loop3A_132 = vector.shape_cast %parallel_loop3A_131 : vector<16xf32> to vector<16xf32>
        %parallel_loop3A_133 = arith.constant 1.000000e+00 : f32
        %parallel_loop3A_134 = vector.broadcast %parallel_loop3A_133 : f32 to vector<16xf32>
        %parallel_loop3A_135 = arith.subf %parallel_loop3A_134, %parallel_loop3A_129 : vector<16xf32>
        %parallel_loop3A_136 = arith.constant 1.000000e+00 : f32
        %parallel_loop3A_137 = vector.broadcast %parallel_loop3A_136 : f32 to vector<16xf32>
        %parallel_loop3A_138 = arith.subf %parallel_loop3A_137, %parallel_loop3A_132 : vector<16xf32>
        %parallel_loop3A_139 = arith.mulf %parallel_loop3A_111, %parallel_loop3A_138 : vector<16xf32>
        %parallel_loop3A_140 = arith.mulf %parallel_loop3A_139, %parallel_loop3A_135 : vector<16xf32>
        %parallel_loop3A_141 = arith.mulf %parallel_loop3A_116, %parallel_loop3A_138 : vector<16xf32>
        %parallel_loop3A_142 = arith.mulf %parallel_loop3A_141, %parallel_loop3A_129 : vector<16xf32>
        %parallel_loop3A_143 = arith.addf %parallel_loop3A_140, %parallel_loop3A_142 : vector<16xf32>
        %parallel_loop3A_144 = arith.mulf %parallel_loop3A_121, %parallel_loop3A_132 : vector<16xf32>
        %parallel_loop3A_145 = arith.mulf %parallel_loop3A_144, %parallel_loop3A_135 : vector<16xf32>
        %parallel_loop3A_146 = arith.addf %parallel_loop3A_143, %parallel_loop3A_145 : vector<16xf32>
        %parallel_loop3A_147 = arith.mulf %parallel_loop3A_126, %parallel_loop3A_132 : vector<16xf32>
        %parallel_loop3A_148 = arith.mulf %parallel_loop3A_147, %parallel_loop3A_129 : vector<16xf32>
        %parallel_loop3A_149 = arith.addf %parallel_loop3A_146, %parallel_loop3A_148 : vector<16xf32>
        %parallel_loop3A_150 = arith.index_cast %parallel_loop3A_108 : i32 to index
        %parallel_loop3A_151 = tpu.vector_load %arg22[%parallel_loop3A_150] {strides = array<i32>} : memref<4096xf32, #tpu.memory_space<vmem>>, vector<16xf32>,
        %parallel_loop3A_152 = vector.shape_cast %parallel_loop3A_151 : vector<16xf32> to vector<16xf32>
        %parallel_loop3A_153 = vector.shape_cast %parallel_loop3A_149 : vector<16xf32> to vector<16xf32>
        tpu.vector_store %arg22[%parallel_loop3A_150], %parallel_loop3A_153 {strides = array<i32>} : memref<4096xf32, #tpu.memory_space<vmem>>, vector<16xf32>,
      } {sc.loop_unroll_factor = 4 : i64, sc.parallel_access}
      "tpu.region"() ({
        %run_scoped3A = tpu.sem_alloc : memref<!tpu.dma_semaphore, #tpu.memory_space<semaphore_mem>>
        %dma_start3A_106 = tpu.memref_slice %arg6[%multiple_of3A_98] : memref<2097152xf32, #tpu.memory_space<hbm>> -> memref<4096xf32, #tpu.memory_space<hbm>>
        %dma_start3A_107 = tpu.memref_slice %arg6[%multiple_of3A_98] : memref<2097152xf32, #tpu.memory_space<hbm>> -> memref<4096xf32, #tpu.memory_space<hbm>>
        tpu.enqueue_dma source(%arg22 : memref<4096xf32, #tpu.memory_space<vmem>>) target(%dma_start3A_107 : memref<4096xf32, #tpu.memory_space<hbm>>) target_semaphore(%run_scoped3A : memref<!tpu.dma_semaphore, #tpu.memory_space<semaphore_mem>>)
        %dma_wait3A_108 = tpu.memref_slice %arg6[%multiple_of3A_98] : memref<2097152xf32, #tpu.memory_space<hbm>> -> memref<4096xf32, #tpu.memory_space<hbm>>
        %dma_wait3A_109 = tpu.memref_slice %arg6[%multiple_of3A_98] : memref<2097152xf32, #tpu.memory_space<hbm>> -> memref<4096xf32, #tpu.memory_space<hbm>>
        tpu.wait_dma2 semaphore(%run_scoped3A : memref<!tpu.dma_semaphore, #tpu.memory_space<semaphore_mem>>) src(%arg22 : memref<4096xf32, #tpu.memory_space<vmem>>) dst(%dma_wait3A_109 : memref<4096xf32, #tpu.memory_space<hbm>>)
        tpu.yield
      }) : () -> ()
    }
    %scan3A_42 = arith.constant 8 : i32
    return
  }
}

</mosaic_0001>

<sc_bundles>
// kernel: kernel.3.cloned.1.call-start
scs
__scs_entry_jumppad:
0x0: {  	(pc) =	sbr.rel $0x88, $3  }
0x1: {  	(tag) =	ssettag $0x0;
	lr =	simm.s32 $0x1  }
0x2: {  	[smem:$0x3F9D] =	sst lr;
	_ =	strace $0xD0000000  }
0x3: {  	_ = 	snop  }
0x4: {  	_ = 	snop  }
0x5: {  	_ = 	snop  }
0x6: {  	_ = 	snop  }
0x7: {  	_ = 	snop  }
__scs_overlays_trampoline_lowered:
0x8: {  	[smem:$0x3FAC] =	sst s0  }
0x9: {  	[smem:$0x3FAD] =	sst s1  }
0xa: {  	[smem:$0x3FAE] =	sst s2  }
0xb: {  	[smem:$0x3FAF] =	sst s3  }
0xc: {  	[smem:$0x3FB0] =	sst s4  }
0xd: {  	[smem:$0x3FB1] =	sst s5  }
0xe: {  	[smem:$0x3FB2] =	sst s6  }
0xf: {  	[smem:$0x3FB3] =	sst s7  }
0x10: {  	[smem:$0x3FB4] =	sst s8  }
0x11: {  	[smem:$0x3FB5] =	sst s9;
	s0 =	simm.s32 @!p0 $0x0  }
0x12: {  	s1 =	sld [smem:$0x3F9B];
	s0 =	simm.s32 @p0 $0x1  }
0x13: {  	[smem:$0x3FB6] =	sst s0;
	s0 =	simm.s32 @!p1 $0x0  }
0x14: {  	s2 =	sld [smem:$0x3F9A];
	s0 =	simm.s32 @p1 $0x1  }
0x15: {  	[smem:$0x3FB7] =	sst s0;
	s0 =	simm.s32 @!p2 $0x0  }
0x16: {  	s3 =	sld [smem:$0x3FDB];
	s0 =	simm.s32 @p2 $0x1  }
0x17: {  	s4 =	simm.s32 $0x1BF5;
	[smem:$0x3FB9] =	sst s0  }
0x18: {  	s0 =	sld [smem:$0x3F9C];
	_ =	swait.ge [sflag:s4], $0x0  }
0x19: {  	s7 =	sld [smem:$0x3F9D]  }
0x1a: {  	s8 =	sadd.s32 $0xFFFFE003, lr  }
0x1b: {  	s9 =	sadd.s32 $0xFFFFFEF7, lr;
	s5 =	simm.s32 $0xFFFFFFFF;
	p2 =	slt.u32 s8, $0xFFFFF086  }
0x1c: {  	p1 =	slt.u32 s9, $0xF7A;
	s5 =	simm.s32 @!p2 $0x0  }
0x1d: {  	s5 =	simm.s32 @p1 $0x1;
	p0 =	seq.s32 s7, s2  }
0x1e: {  	s7 =	smul.u32 @!p0 $0xF7A, s2;
	p2 =	seq.s32 @!p0 s5, $0x0  }
0x1f: {  	s9 =	smul.u32 $0xF7A, s1;
	s8 =	simm.s32 @!p0 $0x1BF5;
	p2 =	por !p2, p0  }
0x20: {  	[sflag:s8] =	ssyncset.s32 @!p0 $0xFFFFF086;
	s6 =	sadd.s32 @!p0 s3, s7;
	s7 =	simm.s32 @!p0 $0x108  }
0x21: {  	s3 =	sadd.s32 s3, s9;
	s6 =	sadd.s32 @!p0 $0x88, s6;
	s7 =	simm.s32 @p2 $0x1082  }
0x22: {  	[simem:s7], [sflag:s8] =	dma.local @!p0 [hbm:s6], $0xF7A  }
0x23: {  	s9 =	sor.u32 $0xD0000000, s2;
	s6 =	simm.s32 $0x108;
	_ =	swait.ge @!p0 [sflag:s8], $0x0  }
0x24: {  	s3 =	sadd.s32 $0x88, s3;
	s6 =	simm.s32 @!p1 $0x1082;
	[sflag:s4] =	ssyncset.s32 $0xFFFFF086  }
0x25: {  	[simem:s6], [sflag:s4] =	dma.local [hbm:s3], $0xF7A  }
0x26: {  	[smem:$0x3F9D] =	sst s1;
	(tag) =	ssettag s2;
	_ =	strace s9  }
0x27: {  	s1 =	sld [smem:$0x3FAD]  }
0x28: {  	s2 =	sld [smem:$0x3FAE]  }
0x29: {  	s4 =	sld [smem:$0x3FB0]  }
0x2a: {  	p0 =	seq.s32 s5, $0x0;
	s5 =	sld [smem:$0x3FB1]  }
0x2b: {  	s6 =	sld [smem:$0x3FB2]  }
0x2c: {  	s7 =	sld [smem:$0x3FB3]  }
0x2d: {  	s3 =	simm.s32 $0x108;
	s8 =	sld [smem:$0x3FB4]  }
0x2e: {  	s3 =	simm.s32 @!p0 $0x1082;
	s9 =	sld [smem:$0x3FB5]  }
0x2f: {  	lr =	sadd.s32 s0, s3;
	s0 =	sld [smem:$0x3FAC]  }
0x30: {  	s3 =	sld [smem:$0x3FAF]  }
0x31: {  	[smem:$0x3FB8] =	sst s10  }
0x32: {  	s10 =	sld [smem:$0x3FB6];
	_ =	sdelay $0x3  }
0x33: {  	p0 =	seq.s32 s10, $0x1;
	s10 =	sld [smem:$0x3FB8];
	_ =	sdelay $0x3  }
0x34: {  	[smem:$0x3FB8] =	sst s10  }
0x35: {  	s10 =	sld [smem:$0x3FB7];
	_ =	sdelay $0x3  }
0x36: {  	p1 =	seq.s32 s10, $0x1;
	s10 =	sld [smem:$0x3FB8];
	_ =	sdelay $0x3  }
0x37: {  	[smem:$0x3FB8] =	sst s10  }
0x38: {  	s10 =	sld [smem:$0x3FB9]  }
0x39: {  	_ = 	snop;
	(pc) =	sbr.ind lr, $3  }
0x3a: {  	_ = 	snop  }
0x3b: {  	_ = 	snop  }
0x3c: {  	p2 =	seq.s32 s10, $0x1;
	s10 =	sld [smem:$0x3FB8]  }
0x3d: {  	_ =	shalt  }
0x3e: {  	_ =	shalt  }
0x3f: {  	_ =	shalt  }
0x40: {  	_ =	shalt  }
0x41: {  	_ =	shalt  }
0x42: {  	_ =	shalt  }
0x43: {  	_ =	shalt  }
0x44: {  	_ =	shalt  }
0x45: {  	_ =	shalt  }
0x46: {  	_ =	shalt  }
0x47: {  	_ =	shalt  }
0x48: {  	_ =	shalt  }
0x49: {  	_ =	shalt  }
0x4a: {  	_ =	shalt  }
0x4b: {  	_ =	shalt  }
0x4c: {  	_ =	shalt  }
0x4d: {  	_ =	shalt  }
0x4e: {  	_ =	shalt  }
0x4f: {  	_ =	shalt  }
0x50: {  	_ =	shalt  }
0x51: {  	_ =	shalt  }
0x52: {  	_ =	shalt  }
0x53: {  	_ =	shalt  }
0x54: {  	_ =	shalt  }
0x55: {  	_ =	shalt  }
0x56: {  	_ =	shalt  }
0x57: {  	_ =	shalt  }
0x58: {  	_ =	shalt  }
0x59: {  	_ =	shalt  }
0x5a: {  	_ =	shalt  }
0x5b: {  	_ =	shalt  }
0x5c: {  	_ =	shalt  }
0x5d: {  	_ =	shalt  }
0x5e: {  	_ =	shalt  }
0x5f: {  	_ =	shalt  }
0x60: {  	_ =	shalt  }
0x61: {  	_ =	shalt  }
0x62: {  	_ =	shalt  }
0x63: {  	_ =	shalt  }
0x64: {  	_ =	shalt  }
0x65: {  	_ =	shalt  }
0x66: {  	_ =	shalt  }
0x67: {  	_ =	shalt  }
0x68: {  	_ =	shalt  }
0x69: {  	_ =	shalt  }
0x6a: {  	_ =	shalt  }
0x6b: {  	_ =	shalt  }
0x6c: {  	_ =	shalt  }
0x6d: {  	_ =	shalt  }
0x6e: {  	_ =	shalt  }
0x6f: {  	_ =	shalt  }
0x70: {  	_ =	shalt  }
0x71: {  	_ =	shalt  }
0x72: {  	_ =	shalt  }
0x73: {  	_ =	shalt  }
0x74: {  	_ =	shalt  }
0x75: {  	_ =	shalt  }
0x76: {  	_ =	shalt  }
0x77: {  	_ =	shalt  }
0x78: {  	_ =	shalt  }
0x79: {  	_ =	shalt  }
0x7a: {  	_ =	shalt  }
0x7b: {  	_ =	shalt  }
0x7c: {  	_ =	shalt  }
0x7d: {  	_ =	shalt  }
0x7e: {  	_ =	shalt  }
0x7f: {  	_ =	shalt  }
0x80: {  	_ =	shalt  }
0x81: {  	_ =	shalt  }
0x82: {  	_ =	shalt  }
0x83: {  	_ =	shalt  }
0x84: {  	_ =	shalt  }
0x85: {  	_ =	shalt  }
0x86: {  	_ =	shalt  }
0x87: {  	_ =	shalt  }
.Lfunc_end0:
.L_simem_size_0:
called_computation.1_lowered:
.L_overlay_start_0:
0x88: {  	s2 =	sld [smem:$0x3FD9]  }
0x89: {  	s3 =	sld [smem:$0x3FFE];
	_ =	sdelay $0x1  }
0x8a: {  	s1 =	srdreg.scid  }
0x8b: {  	s0 =	sand.u32 $0x1, s1  }
0x8c: {  	s17 =	sshll.u32 s0, $0xA;
	s2 =	sadd.s32 s3, s2  }
0x8d: {  	s2 =	sadd.s32 s2, s17  }
0x8e: {  	[smem:$0x3FC4] =	sst s2  }
0x8f: {  	_ = 	snop  }
0x90: {  	s2 =	sld [smem:$0x3FD0];
	(tm) =	ssettm $0x1  }
0x91: {  	s18 =	sld [smem:$0x3FFB];
	_ =	sdelay $0x3  }
0x92: {  	_ =	strace s18  }
0x93: {  	s3 =	sld [smem:$0x3FFC];
	_ =	sdelay $0x3  }
0x94: {  	_ =	strace s3  }
0x95: {  	s3 =	sld [smem:$0x3FFD];
	_ =	sdelay $0x3  }
0x96: {  	_ =	strace s3  }
0x97: {  	_ =	strace $0x8FFFFFFF  }
0x98: {  	s19 =	sld [smem:$0x3FDB];
	_ =	sdelay $0x1  }
0x99: {  	s4 =	simm.s32 $_scs_section_size  }
0x9a: {  	s5 =	simm.s32 $_size__tile_overlayer_lowered;
	s6 =	simm.s32 $_tile_overlayer_lowered  }
0x9b: {  	s22 =	simm.s32 $0x1BFF;
	s21 =	sshll.u32 s6, $0x1;
	s3 =	sadd.s32 s4, s19  }
0x9c: {  	s7 =	simm.s32 $0x0;
	s20 =	sshll.u32 s5, $0x1;
	s5 =	sadd.s32 s21, s3  }
0x9d: {  	[timem:s7], [sflag:s22] =	dma.local [hbm:s5], s20  }
0x9e: {  	_ =	swait.ge [sflag:s22], s20  }
0x9f: {  	s4 =	ssub.s32 $0x0, s20;
	[sflag:s22] =	ssyncset.done $0x0  }
0xa0: {  	[sflag:s22] =	ssyncadd.s32 s4;
	_ =	sdelay $0x1  }
0xa1: {  	s23 =	simm.s32 $0x1B8B  }
0xa2: {  	_ =	swait.ge [sflag:s23], $0x1  }
0xa3: {  	[sflag:s23] =	ssyncset.done $0x0  }
0xa4: {  	s25 =	simm.s32 $0x1B8E;
	s24 =	sld [smem:$0x3FFE];
	[sflag:s23] =	ssyncadd.s32 $0xFFFFFFFF  }
0xa5: {  	s26 =	simm.s32 $execute0_lowered;
	[smem:$0x3FD2] =	sst s25  }
0xa6: {  	s5 =	sshll.u32 s26, $0x1;
	_ =	strace $0x80000049;
	[dreg:$0x1] =	wrdreg $0xFFFFFFFF  }
0xa7: {  	s28 =	simm.s32 $_size_execute0_lowered;
	s3 =	sadd.s32 s3, s5;
	[dreg:$0x0] =	wrdreg $0x0  }
0xa8: {  	s5 =	sshll.u32 s28, $0x1;
	[dreg:$0x2] =	wrdreg s3  }
0xa9: {  	[dreg:$0x3] =	wrdreg s5  }
0xaa: {  	[dreg:$0x4] =	wrdreg $0xC0  }
0xab: {  	_ =	task [dreg:s7], $0x5FFFF  }
0xac: {  	[dreg:$0x1] =	wrdreg $0xFFFFFFFF  }
0xad: {  	[dreg:$0x0] =	wrdreg $0x60  }
0xae: {  	[dreg:$0x2] =	wrdreg s24  }
0xaf: {  	[dreg:$0x3] =	wrdreg s2  }
0xb0: {  	[dreg:$0x4] =	wrdreg $0x9  }
0xb1: {  	_ =	task.clear_ibuf [dreg:s7], $0x5FFFF;
	_ =	strace $0x90000049  }
0xb2: {  	s29 =	simm.s32 $0x9;
	_ =	strace $0x8000004B  }
0xb3: {  	_ =	swait.ge [sflag:s29], $0x1  }
0xb4: {  	[sflag:s29] =	ssyncadd.s32 $0xFFFFFFFF  }
0xb5: {  	_ =	strace $0x9000004B  }
0xb6: {  	_ =	sfence  }
0xb7: {  	s30 =	sld [smem:$0x0];
	_ =	sdelay $0x2  }
0xb8: {  	s31 =	sshll.u32 s1, $0xD;
	s1 =	sshrl.u32 s1, $0x2  }
0xb9: {  	s3 =	sand.u32 $0x4000, s31;
	s1 =	sadd.s32 s1, s30  }
0xba: {  	s0 =	sor.u32 s3, s0;
	s1 =	sshll.u32 s1, $0x11  }
0xbb: {  	s0 =	sor.u32 s1, s0  }
0xbc: {  	s0 =	sadd.s32 $0x8F2B, s0  }
0xbd: {  	[sflag:s0] =	ssyncadd.remote.s32 $0x1  }
0xbe: {  	_ =	sfence.sel $0xFFFF  }
0xbf: {  	[dreg:$0x0] =	wrdreg $0xFFFFFFFF;
	(pc) =	sbr.abs _section_cstart, $3  }
0xc0: {  	[dreg:$0x1] =	wrdreg $0xFFFFFFFF  }
0xc1: {  	_ =	task.clear_ibuf [dreg:s7], $0x2FFFF;
	_ =	strace $0x9FFFFFFF  }
0xc2: {  	(tm) =	ssettm $0x7FFFFFFF  }
0xc3: {  	_ =	shalt  }
tec
execute0_lowered:
.L_overlay_start_1:
0x0: {  	(tag) =	ssettag $0x1  }
0x1: {  	s0 =	rddreg [dreg:$0x0]  }
0x2: {  	s1 =	rddreg [dreg:$0x1]  }
0x3: {  	s2 =	simm.s32 $0x0;
	s3 =	srdreg.scid;
	s6 =	stileid.u32  }
0x4: {  	s17 =	simm.s32 $0x5;
	s19 =	simm.s32 $0xD000;
	s20 =	simm.s32 $0xE000  }
0x5: {  	s21 =	simm.s32 $0x2;
	s22 =	simm.s32 $0x80;
	s23 =	simm.s32 $0x4  }
0x6: {  	s24 =	simm.s32 $0x1;
	s28 =	simm.s32 $0x19000;
	s29 =	simm.s32 $0x0  }
0x7: {  	[smem:$0x7FF] =	sst s2;
	s4 =	sadd.s32 $0x841200, s0;
	s3 =	sand.u32 $0x1, s3  }
0x8: {  	s7 =	sshll.u32 s6, $0x11;
	s8 =	ssub.s32 $0x2, s3;
	s3 =	sshll.u32 s3, $0x10  }
0x9: {  	s5 =	sadd.s32 $0x801200, s0;
	s6 =	sadd.s32 $0x1200, s0;
	s7 =	sor.u32 s3, s7  }
0xa: {  	s0 =	sadd.s32 $0x881200, s0;
	_ =	strace $0x8000004A;
	s3 =	sshrl.u32 s7, $0x3  }
0xb: {  	[dreg:$0x3] =	wrdreg s0;
	s9 =	sshrl.u32 s8, $0x1;
	s26 =	sadd.s32 s4, s3  }
0xc: {  	s25 =	ssub.s32 s8, s9;
	s30 =	sadd.s32 s5, s3;
	[dreg:$0x4] =	wrdreg s26  }
0xd: {  	s3 =	sor.u32 $0x200, s3;
	s0 =	smax.u32 s25, $0x1;
	[dreg:$0x5] =	wrdreg s30  }
0xe: {  	s13 =	sor.u32 $0x2000, s7;
	s31 =	sadd.s32 s4, s3;
	[dreg:$0x8] =	wrdreg s0  }
0xf: {  	s14 =	sor.u32 $0x3000, s7;
	s3 =	sadd.s32 s5, s3;
	[dreg:$0x6] =	wrdreg s31  }
0x10: {  	s25 =	simm.s32 $0xC000;
	s26 =	simm.s32 $0x3;
	[dreg:$0x7] =	wrdreg s3  }
.LBB2_1:
0x11: {  	s0 =	rddreg [dreg:$0x3];
	s3 =	simm.s32 $0x1A000  }
0x12: {  	[tilespmem:s3], [sflag:$0x5] =	stream.linear.gather [hbm4b:s0+s2], $0x80, $0x38;
	[tilespmem:$0x1A080] =	vst v63  }
0x13: {  	_ =	swait.ge [sflag:s17], $0x80  }
0x14: {  	[sflag:s17] =	ssyncset.done $0x0  }
0x15: {  	[sflag:s17] =	ssyncadd.s32 $0xFFFFFF80  }
0x16: {  	v0 =	vld [tilespmem:$0x1A000]  }
0x17: {  	v1 =	vld [tilespmem:$0x1A010]  }
0x18: {  	s9 =	rddreg [dreg:$0x4];
	v2 =	vld [tilespmem:$0x1A020]  }
0x19: {  	v3 =	vld [tilespmem:$0x1A030];
	[tilespmem:s2], [sflag:$0x2] =	stream.linear.gather [hbm4b:s9+s2], $0x1000, $0x38  }
0x1a: {  	s11 =	simm.s32 $0x1000;
	s10 =	rddreg [dreg:$0x5]  }
0x1b: {  	[tilespmem:s11], [sflag:$0x2] =	stream.linear.gather [hbm4b:s10+s2], $0x1000, $0x38;
	[tilespmem:$0x1A080] =	vst v63  }
0x1c: {  	s12 =	rddreg [dreg:$0x6]  }
0x1d: {  	[tilespmem:s19], [sflag:$0x4] =	stream.linear.gather [hbm4b:s12+s2], $0x1000, $0x38;
	[tilespmem:$0x1A080] =	vst v63  }
0x1e: {  	s15 =	rddreg [dreg:$0x7]  }
0x1f: {  	[tilespmem:s20], [sflag:$0x4] =	stream.linear.gather [hbm4b:s15+s2], $0x1000, $0x38;
	[tilespmem:$0x1A080] =	vst v63  }
0x20: {  	_ =	swait.ge [sflag:s21], $0x1000  }
0x21: {  	[sflag:s21] =	ssyncset.done $0x0  }
0x22: {  	[sflag:s21] =	ssyncadd.s32 $0xFFFFF000  }
0x23: {  	_ =	swait.ge [sflag:s21], $0x1000  }
0x24: {  	[sflag:s21] =	ssyncset.done $0x0  }
0x25: {  	s16 =	simm.s32 $0x20;
	[sflag:s21] =	ssyncadd.s32 $0xFFFFF000  }
0x26: {  	s18 =	simm.s32 $0x1020;
	v4 =	vld [tilespmem:s16+$0x10]  }
0x27: {  	v5 =	vld [tilespmem:s18+$0x10]  }
0x28: {  	v6 =	vld [tilespmem:s18+$0xFFFFFFE0]  }
0x29: {  	v7 =	vld [tilespmem:s16+$0xFFFFFFF0]  }
0x2a: {  	v8 =	vld [tilespmem:s18+$0xFFFFFFF0]  }
0x2b: {  	v9 =	vld [tilespmem:s16+$0x0]  }
0x2c: {  	v10 =	vld [tilespmem:s18+$0x0]  }
0x2d: {  	s30 =	simm.s32 $0x60;
	v11 =	vld [tilespmem:s16+$0xFFFFFFE0]  }
0x2e: {  	s0 =	simm.s32 $0x1060;
	v22 =	vld [tilespmem:s30+$0x10]  }
0x2f: {  	v24 =	vld [tilespmem:s0+$0x10];
	v4 =	vsub.f32 v4, v0  }
0x30: {  	v5 =	vsub.f32 v5, v1;
	v6 =	vsub.f32 v6, v1  }
0x31: {  	v7 =	vsub.f32 v7, v0;
	v8 =	vsub.f32 v8, v1  }
0x32: {  	v9 =	vsub.f32 v9, v0;
	v10 =	vsub.f32 v10, v1  }
0x33: {  	v11 =	vsub.f32 v11, v0;
	v22 =	vsub.f32 v22, v0  }
0x34: {  	v24 =	vsub.f32 v24, v1;
	v4 =	vadd.f32 v4, v4  }
0x35: {  	v5 =	vadd.f32 v5, v5;
	v6 =	vadd.f32 v6, v6  }
0x36: {  	v7 =	vadd.f32 v7, v7;
	v8 =	vadd.f32 v8, v8  }
0x37: {  	v11 =	vadd.f32 v11, v11;
	v9 =	vadd.f32 v9, v9  }
0x38: {  	v10 =	vadd.f32 v10, v10;
	v4 =	vmul.f32 v4, v2;
	v5 =	vmul.f32 v5, v3  }
0x39: {  	v22 =	vadd.f32 v22, v22;
	v6 =	vmul.f32 v6, v3;
	v7 =	vmul.f32 v7, v2  }
0x3a: {  	v24 =	vadd.f32 v24, v24;
	v11 =	vmul.f32 v11, v2;
	v8 =	vmul.f32 v8, v3  }
0x3b: {  	v9 =	vmul.f32 v9, v2;
	v4 =	vadd.f32 $-1.000000000e+00, v4;
	v5 =	vadd.f32 $-1.000000000e+00, v5  }
0x3c: {  	v10 =	vmul.f32 v10, v3;
	v6 =	vadd.f32 $-1.000000000e+00, v6;
	v7 =	vadd.f32 $-1.000000000e+00, v7  }
0x3d: {  	v11 =	vadd.f32 $-1.000000000e+00, v11;
	v8 =	vadd.f32 $-1.000000000e+00, v8  }
0x3e: {  	v9 =	vadd.f32 $-1.000000000e+00, v9;
	v10 =	vadd.f32 $-1.000000000e+00, v10  }
0x3f: {  	v22 =	vmul.f32 v22, v2;
	v4 =	vadd.f32 $1.000000000e+00, v4;
	v5 =	vadd.f32 $1.000000000e+00, v5  }
0x40: {  	v24 =	vmul.f32 v24, v3;
	v11 =	vadd.f32 $1.000000000e+00, v11;
	v6 =	vadd.f32 $1.000000000e+00, v6  }
0x41: {  	v27 =	vld [tilespmem:s0+$0xFFFFFFE0];
	v7 =	vadd.f32 $1.000000000e+00, v7;
	v8 =	vadd.f32 $1.000000000e+00, v8;
	v4 =	vmul.f32 $5.000000000e-01, v4  }
0x42: {  	v30 =	vld [tilespmem:s30+$0xFFFFFFF0];
	v9 =	vadd.f32 $1.000000000e+00, v9;
	v5 =	vmul.f32 $5.000000000e-01, v5;
	v11 =	vmul.f32 $5.000000000e-01, v11  }
0x43: {  	v10 =	vadd.f32 $1.000000000e+00, v10;
	v6 =	vmul.f32 $5.000000000e-01, v6;
	v7 =	vmul.f32 $5.000000000e-01, v7  }
0x44: {  	v8 =	vmul.f32 $5.000000000e-01, v8;
	v9 =	vmul.f32 $5.000000000e-01, v9  }
0x45: {  	v10 =	vmul.f32 $5.000000000e-01, v10;
	v4 =	vmul.f32 $8.191000000e+03, v4  }
0x46: {  	v47 =	vsub.f32 v27, v1;
	v5 =	vmul.f32 $8.191000000e+03, v5;
	v11 =	vmul.f32 $8.191000000e+03, v11  }
0x47: {  	v49 =	vsub.f32 v30, v0;
	v8 =	vmul.f32 $8.191000000e+03, v8;
	v9 =	vmul.f32 $8.191000000e+03, v9  }
0x48: {  	v22 =	vadd.f32 $-1.000000000e+00, v22;
	v12 =	vtrunc.f32 v4;
	v13 =	vtrunc.f32 v5  }
0x49: {  	v24 =	vadd.f32 $-1.000000000e+00, v24;
	v16 =	vtrunc.f32 v8;
	v18 =	vtrunc.f32 v9  }
0x4a: {  	v22 =	vadd.f32 $1.000000000e+00, v22;
	v12 =	vcvt.f32.s32 v12;
	v13 =	vcvt.f32.s32 v13  }
0x4b: {  	v52 =	vadd.f32 $1.000000000e+00, v24;
	v16 =	vcvt.f32.s32 v16;
	v18 =	vcvt.f32.s32 v18  }
0x4c: {  	v6 =	vmul.f32 $8.191000000e+03, v6;
	v7 =	vmul.f32 $8.191000000e+03, v7;
	vm0 =	vgt.s32 v12, $0x0  }
0x4d: {  	vm13 =	vgt.s32 v13, $0x0;
	vm3 =	vgt.s32 v16, $0x0;
	vm15 =	vgt.s32 v18, $0x0  }
0x4e: {  	v12 =	vnsel vm0, $0x0, v12;
	v13 =	vnsel vm13, $0x0, v13;
	v16 =	vnsel vm3, $0x0, v16  }
0x4f: {  	v18 =	vnsel vm15, $0x0, v18;
	v12 =	vmin.u32 v12, $0x1FFE;
	v13 =	vmin.u32 v13, $0x1FFE  }
0x50: {  	v16 =	vmin.u32 v16, $0x1FFE;
	v14 =	vcvt.s32.f32 v12;
	v15 =	vcvt.s32.f32 v13  }
0x51: {  	v18 =	vmin.u32 v18, $0x1FFE;
	v28 =	vcvt.s32.f32 v16;
	v16 =	vshll.u32 v16, $0xD  }
0x52: {  	v29 =	vcvt.s32.f32 v18;
	v14 =	vsub.f32 v4, v14;
	v5 =	vsub.f32 v5, v15  }
0x53: {  	v4 =	vmul.f32 $8.191000000e+03, v10;
	v10 =	vshll.u32 v13, $0xD;
	v13 =	vtrunc.f32 v11  }
0x54: {  	v15 =	vtrunc.f32 v6;
	v8 =	vsub.f32 v8, v28;
	v9 =	vsub.f32 v9, v29  }
0x55: {  	v28 =	vadd.f32 v49, v49;
	v10 =	vor.u32 v12, v10;
	v12 =	vtrunc.f32 v7  }
0x56: {  	v13 =	vcvt.f32.s32 v13;
	v15 =	vcvt.f32.s32 v15;
	v17 =	vadd.s32 $0x2001, v10  }
0x57: {  	s8 =	simm.s32 $0x2020;
	v19 =	vtrunc.f32 v4;
	v20 =	vadd.s32 $0x1, v10;
	v12 =	vcvt.f32.s32 v12  }
0x58: {  	s31 =	simm.s32 $0x3020;
	v21 =	vadd.s32 $0x2000, v10;
	v28 =	vmul.f32 v28, v2;
	[tilespmem:s8+$0x10] =	vst v14;
	vm14 =	vgt.s32 v13, $0x0  }
0x59: {  	s9 =	simm.s32 $0x6010;
	v19 =	vcvt.f32.s32 v19;
	vm1 =	vgt.s32 v15, $0x0;
	[tilespmem:s31+$0x10] =	vst v5;
	vm2 =	vgt.s32 v12, $0x0  }
0x5a: {  	v13 =	vnsel vm14, $0x0, v13;
	v15 =	vnsel vm1, $0x0, v15;
	[tilespmem:s9+$0xFFFFE020] =	vst v10;
	v10 =	vadd.f32 $-1.000000000e+00, v28  }
0x5b: {  	vm4 =	vgt.s32 v19, $0x0;
	v12 =	vnsel vm2, $0x0, v12;
	v13 =	vmin.u32 v13, $0x1FFE  }
0x5c: {  	v45 =	vld [tilespmem:s0+$0xFFFFFFF0];
	v15 =	vmin.u32 v15, $0x1FFE;
	v19 =	vnsel vm4, $0x0, v19;
	v12 =	vmin.u32 v12, $0x1FFE  }
0x5d: {  	v46 =	vld [tilespmem:s30+$0xFFFFFFE0];
	v23 =	vcvt.s32.f32 v13;
	v25 =	vcvt.s32.f32 v15;
	v15 =	vshll.u32 v15, $0xD  }
0x5e: {  	v10 =	vadd.f32 $1.000000000e+00, v10;
	v19 =	vmin.u32 v19, $0x1FFE;
	v13 =	vor.u32 v13, v15;
	v15 =	vld [tilespmem:s30+$0x0]  }
0x5f: {  	v26 =	vcvt.s32.f32 v12;
	v12 =	vor.u32 v12, v16;
	v16 =	vld [tilespmem:s0+$0x0];
	v11 =	vsub.f32 v11, v23  }
0x60: {  	v44 =	vcvt.s32.f32 v19;
	v19 =	vshll.u32 v19, $0xD;
	v6 =	vsub.f32 v6, v25  }
0x61: {  	v48 =	vadd.s32 $0x1, v13;
	v50 =	vadd.s32 $0x2000, v13;
	v25 =	vsub.f32 v45, v1  }
0x62: {  	v51 =	vadd.s32 $0x2001, v13;
	v53 =	vadd.s32 $0x1, v12;
	v7 =	vsub.f32 v7, v26  }
0x63: {  	v18 =	vor.u32 v18, v19;
	v26 =	vadd.f32 v47, v47;
	v19 =	vsub.f32 v46, v0  }
0x64: {  	v10 =	vmul.f32 $5.000000000e-01, v10;
	v15 =	vsub.f32 v15, v0;
	v16 =	vsub.f32 v16, v1  }
0x65: {  	v25 =	vadd.f32 v25, v25;
	v26 =	vmul.f32 v26, v3;
	v14 =	vadd.f32 v19, v19  }
0x66: {  	v5 =	vadd.f32 v15, v15;
	v15 =	vadd.f32 v16, v16;
	v16 =	vmul.f32 $5.000000000e-01, v22  }
0x67: {  	[tilespmem:s8+$0x0] =	vst v9;
	v4 =	vsub.f32 v4, v44;
	v19 =	vmul.f32 $5.000000000e-01, v52;
	v14 =	vmul.f32 v14, v2  }
0x68: {  	[tilespmem:s9+$0x1020] =	vst v17;
	v54 =	vmul.f32 v25, v3;
	v17 =	vadd.f32 $-1.000000000e+00, v26;
	v16 =	vmul.f32 $8.191000000e+03, v16  }
0x69: {  	[tilespmem:s9+$0xFFFFF020] =	vst v20;
	v19 =	vmul.f32 $8.191000000e+03, v19;
	v14 =	vadd.f32 $-1.000000000e+00, v14;
	v5 =	vmul.f32 v5, v2  }
0x6a: {  	[tilespmem:s8+$0xFFFFFFE0] =	vst v11;
	v55 =	vadd.f32 $-1.000000000e+00, v54;
	v15 =	vmul.f32 v15, v3;
	v56 =	vtrunc.f32 v16  }
0x6b: {  	[tilespmem:s31+$0xFFFFFFE0] =	vst v6;
	v57 =	vtrunc.f32 v19;
	v6 =	vadd.f32 $1.000000000e+00, v14;
	v11 =	vcvt.f32.s32 v56  }
0x6c: {  	[tilespmem:s9+$0x20] =	vst v21;
	v5 =	vadd.f32 $-1.000000000e+00, v5;
	v14 =	vadd.f32 $-1.000000000e+00, v15;
	v15 =	vcvt.f32.s32 v57  }
0x6d: {  	[tilespmem:s9+$0xFFFFDFF0] =	vst v13;
	v13 =	vadd.f32 $1.000000000e+00, v17;
	v6 =	vmul.f32 $5.000000000e-01, v6;
	vm8 =	vgt.s32 v11, $0x0  }
0x6e: {  	[tilespmem:s8+$0xFFFFFFF0] =	vst v7;
	vm9 =	vgt.s32 v15, $0x0;
	v5 =	vadd.f32 $1.000000000e+00, v5;
	v11 =	vnsel vm8, $0x0, v11  }
0x6f: {  	[tilespmem:s31+$0xFFFFFFF0] =	vst v8;
	v7 =	vadd.f32 $1.000000000e+00, v14;
	v15 =	vnsel vm9, $0x0, v15;
	v11 =	vmin.u32 v11, $0x1FFE  }
0x70: {  	s10 =	sand.u32 $0xFC0, s2;
	[tilespmem:s31+$0x0] =	vst v4;
	v14 =	vmin.u32 v15, $0x1FFE;
	v5 =	vmul.f32 $5.000000000e-01, v5;
	v15 =	vcvt.s32.f32 v11  }
0x71: {  	[tilespmem:s10+$0x5000] =	vst v48;
	v17 =	vadd.f32 $1.000000000e+00, v55;
	v13 =	vmul.f32 $5.000000000e-01, v13;
	v8 =	vcvt.s32.f32 v14  }
0x72: {  	[tilespmem:s10+$0x6000] =	vst v50;
	v9 =	vmul.f32 $8.191000000e+03, v6;
	v5 =	vmul.f32 $8.191000000e+03, v5;
	v15 =	vsub.f32 v16, v15  }
0x73: {  	[tilespmem:s9+$0xFFFFE000] =	vst v12;
	v16 =	vmul.f32 $5.000000000e-01, v17;
	v17 =	vsub.f32 v19, v8;
	v8 =	vshll.u32 v14, $0xD  }
0x74: {  	[tilespmem:s10+$0x7000] =	vst v51;
	v14 =	vmul.f32 $5.000000000e-01, v7;
	v7 =	vmul.f32 $8.191000000e+03, v10;
	v10 =	vadd.s32 $0x2000, v12  }
0x75: {  	v12 =	vadd.s32 $0x2001, v12;
	v11 =	vor.u32 v11, v8;
	v8 =	vmul.f32 $8.191000000e+03, v13;
	[tilespmem:s9+$0x0] =	vst v10  }
0x76: {  	s3 =	simm.s32 $0x2060;
	v58 =	vadd.s32 $0x2000, v18;
	v10 =	vtrunc.f32 v5;
	[tilespmem:s9+$0x1000] =	vst v12;
	v6 =	vmul.f32 $8.191000000e+03, v16  }
0x77: {  	s16 =	simm.s32 $0x3060;
	v60 =	vadd.s32 $0x2001, v18;
	[tilespmem:s3+$0x10] =	vst v15;
	v4 =	vmul.f32 $8.191000000e+03, v14;
	v14 =	vtrunc.f32 v9  }
0x78: {  	s8 =	simm.s32 $0x6050;
	v13 =	vadd.s32 $0x2001, v11;
	v10 =	vcvt.f32.s32 v10;
	[tilespmem:s16+$0x10] =	vst v17;
	v15 =	vtrunc.f32 v8  }
0x79: {  	v16 =	vadd.s32 $0x1, v18;
	v12 =	vcvt.f32.s32 v14;
	[tilespmem:s8+$0x1020] =	vst v13;
	v13 =	vtrunc.f32 v7  }
0x7a: {  	[tilespmem:s9+$0xFFFFF000] =	vst v53;
	v61 =	vadd.s32 $0x2000, v11;
	v17 =	vtrunc.f32 v6;
	v59 =	vtrunc.f32 v4  }
0x7b: {  	[tilespmem:s9+$0xFFFFE010] =	vst v18;
	v14 =	vcvt.f32.s32 v15;
	v15 =	vadd.s32 $0x1, v11;
	v13 =	vcvt.f32.s32 v13  }
0x7c: {  	[tilespmem:s9+$0xFFFFF010] =	vst v16;
	v17 =	vcvt.f32.s32 v17;
	vm10 =	vgt.s32 v12, $0x0;
	v16 =	vcvt.f32.s32 v59  }
0x7d: {  	[tilespmem:s9+$0x10] =	vst v58;
	vm14 =	vgt.s32 v10, $0x0;
	vm11 =	vgt.s32 v14, $0x0;
	v12 =	vnsel vm10, $0x0, v12  }
0x7e: {  	[tilespmem:s9+$0x1010] =	vst v60;
	vm12 =	vgt.s32 v13, $0x0;
	vm13 =	vgt.s32 v17, $0x0;
	vm15 =	vgt.s32 v16, $0x0  }
0x7f: {  	[tilespmem:s8+$0xFFFFE020] =	vst v11;
	v62 =	vnsel vm11, $0x0, v14;
	v11 =	vmin.u32 v12, $0x1FFE;
	v14 =	vnsel vm14, $0x0, v10  }
0x80: {  	s11 =	simm.s32 $0xA0;
	[tilespmem:s8+$0x20] =	vst v61;
	v63 =	vnsel vm12, $0x0, v13;
	v17 =	vnsel vm13, $0x0, v17;
	v13 =	vnsel vm15, $0x0, v16  }
0x81: {  	s18 =	simm.s32 $0x4;
	s10 =	simm.s32 $0x0;
	s9 =	simm.s32 $0x6050;
	[tilespmem:s8+$0xFFFFF020] =	vst v15;
	v15 =	vmin.u32 v62, $0x1FFE;
	v10 =	vmin.u32 v63, $0x1FFE;
	v12 =	vmin.u32 v17, $0x1FFE  }
.LBB2_2:
0x82: {  	v16 =	vld [tilespmem:s11+$0x10];
	v17 =	vcvt.s32.f32 v11;
	v14 =	vmin.u32 v14, $0x1FFE;
	v13 =	vmin.u32 v13, $0x1FFE;
	s0 =	sadd.s32 $0x40, s0  }
0x83: {  	v19 =	vcvt.s32.f32 v15;
	v15 =	vshll.u32 v15, $0xD;
	v20 =	vcvt.s32.f32 v10;
	v18 =	vld [tilespmem:s0+$0x10]  }
0x84: {  	s18 =	sadd.s32 $0x4, s18;
	v22 =	vcvt.s32.f32 v12;
	v12 =	vshll.u32 v12, $0xD;
	v23 =	vcvt.s32.f32 v14;
	v21 =	vld [tilespmem:s0+$0xFFFFFFE0]  }
0x85: {  	p0 =	slt.u32 s18, $0xFC;
	v9 =	vsub.f32 v9, v17;
	v17 =	vcvt.s32.f32 v13;
	v13 =	vshll.u32 v13, $0xD;
	v24 =	vld [tilespmem:s11+$0xFFFFFFF0]  }
0x86: {  	v15 =	vor.u32 v11, v15;
	v8 =	vsub.f32 v8, v19;
	v7 =	vsub.f32 v7, v20;
	v25 =	vld [tilespmem:s0+$0xFFFFFFF0]  }
0x87: {  	v11 =	vor.u32 v10, v12;
	v6 =	vsub.f32 v6, v22;
	v19 =	vld [tilespmem:s11+$0x0];
	v16 =	vsub.f32 v16, v0;
	[tilespmem:s3+$0xFFFFFFE0] =	vst v9  }
0x88: {  	s10 =	sadd.s32 $0x40, s10;
	v5 =	vsub.f32 v5, v23;
	v10 =	vor.u32 v14, v13;
	v9 =	vld [tilespmem:s0+$0x0];
	v12 =	vsub.f32 v18, v1;
	[tilespmem:s16+$0xFFFFFFE0] =	vst v8  }
0x89: {  	s12 =	sand.u32 $0xFC0, s10;
	v8 =	vld [tilespmem:s11+$0xFFFFFFE0];
	v13 =	vsub.f32 v21, v1;
	v14 =	vadd.f32 v16, v16;
	[tilespmem:s8+$0xFFFFDFF0] =	vst v15;
	v16 =	vadd.s32 $0x1, v15  }
0x8a: {  	v18 =	vsub.f32 v24, v0;
	v12 =	vadd.f32 v12, v12;
	[tilespmem:s12+$0x5000] =	vst v16;
	v16 =	vadd.s32 $0x2000, v15  }
0x8b: {  	v13 =	vadd.f32 v13, v13;
	v20 =	vsub.f32 v25, v1;
	v14 =	vmul.f32 v14, v2;
	[tilespmem:s12+$0x6000] =	vst v16  }
0x8c: {  	v16 =	vadd.f32 v18, v18;
	v18 =	vsub.f32 v19, v0;
	v12 =	vmul.f32 v12, v3;
	[tilespmem:s3+$0xFFFFFFF0] =	vst v7  }
0x8d: {  	v7 =	vmul.f32 v13, v3;
	v9 =	vsub.f32 v9, v1;
	v13 =	vadd.f32 $-1.000000000e+00, v14;
	[tilespmem:s16+$0xFFFFFFF0] =	vst v6  }
0x8e: {  	v6 =	vsub.f32 v8, v0;
	v8 =	vmul.f32 v16, v2;
	v12 =	vadd.f32 $-1.000000000e+00, v12;
	[tilespmem:s8+$0xFFFFE000] =	vst v11  }
0x8f: {  	v15 =	vadd.s32 $0x2001, v15;
	v14 =	vadd.f32 v20, v20;
	v13 =	vadd.f32 $1.000000000e+00, v13;
	[tilespmem:s3+$0x0] =	vst v5  }
0x90: {  	v5 =	vadd.f32 v6, v6;
	v6 =	vadd.f32 $1.000000000e+00, v12;
	[tilespmem:s12+$0x7000] =	vst v15;
	v12 =	vadd.s32 $0x1, v11  }
0x91: {  	v9 =	vadd.f32 v9, v9;
	v15 =	vadd.f32 v18, v18;
	v13 =	vmul.f32 $5.000000000e-01, v13;
	[tilespmem:s8+$0xFFFFF000] =	vst v12  }
0x92: {  	v7 =	vadd.f32 $-1.000000000e+00, v7;
	v5 =	vmul.f32 v5, v2;
	v6 =	vmul.f32 $5.000000000e-01, v6  }
0x93: {  	v8 =	vadd.f32 $-1.000000000e+00, v8;
	v12 =	vmul.f32 v14, v3;
	v13 =	vmul.f32 $8.191000000e+03, v13  }
0x94: {  	v14 =	vmul.f32 v15, v2;
	v5 =	vadd.f32 $-1.000000000e+00, v5;
	v6 =	vmul.f32 $8.191000000e+03, v6  }
0x95: {  	v9 =	vmul.f32 v9, v3;
	v12 =	vadd.f32 $-1.000000000e+00, v12;
	v15 =	vtrunc.f32 v13  }
0x96: {  	v14 =	vadd.f32 $-1.000000000e+00, v14;
	v15 =	vcvt.f32.s32 v15;
	v16 =	vtrunc.f32 v6  }
0x97: {  	v9 =	vadd.f32 $-1.000000000e+00, v9;
	v5 =	vadd.f32 $1.000000000e+00, v5;
	v16 =	vcvt.f32.s32 v16  }
0x98: {  	v7 =	vadd.f32 $1.000000000e+00, v7;
	v8 =	vadd.f32 $1.000000000e+00, v8;
	vm0 =	vgt.s32 v15, $0x0  }
0x99: {  	v12 =	vadd.f32 $1.000000000e+00, v12;
	v15 =	vnsel vm0, $0x0, v15;
	vm0 =	vgt.s32 v16, $0x0  }
0x9a: {  	v14 =	vadd.f32 $1.000000000e+00, v14;
	v15 =	vmin.u32 v15, $0x1FFE;
	v16 =	vnsel vm0, $0x0, v16  }
0x9b: {  	v9 =	vadd.f32 $1.000000000e+00, v9;
	v16 =	vmin.u32 v16, $0x1FFE;
	v18 =	vcvt.s32.f32 v15  }
0x9c: {  	v4 =	vsub.f32 v4, v17;
	v5 =	vmul.f32 $5.000000000e-01, v5;
	v19 =	vcvt.s32.f32 v16  }
0x9d: {  	v7 =	vmul.f32 $5.000000000e-01, v7;
	v17 =	vmul.f32 $5.000000000e-01, v8;
	v8 =	vsub.f32 v13, v18  }
0x9e: {  	s3 =	sadd.s32 $0x40, s3;
	v12 =	vmul.f32 $5.000000000e-01, v12;
	v13 =	vshll.u32 v16, $0xD;
	v6 =	vsub.f32 v6, v19;
	[tilespmem:s16+$0x0] =	vst v4  }
0x9f: {  	v4 =	vmul.f32 $5.000000000e-01, v14;
	v14 =	vmul.f32 $5.000000000e-01, v9;
	v13 =	vor.u32 v15, v13;
	s16 =	sadd.s32 $0x40, s16;
	[tilespmem:s3+$0x10] =	vst v8  }
0xa0: {  	s8 =	sadd.s32 $0x40, s8;
	v9 =	vmul.f32 $8.191000000e+03, v5;
	v8 =	vmul.f32 $8.191000000e+03, v7;
	v5 =	vadd.s32 $0x2001, v13;
	[tilespmem:s16+$0x10] =	vst v6  }
0xa1: {  	s30 =	simm.s32 $0x0;
	v7 =	vmul.f32 $8.191000000e+03, v17;
	v6 =	vmul.f32 $8.191000000e+03, v12;
	v12 =	vadd.s32 $0x2000, v11;
	[tilespmem:s8+$0x1020] =	vst v5  }
0xa2: {  	v11 =	vadd.s32 $0x2001, v11;
	v5 =	vmul.f32 $8.191000000e+03, v4;
	v4 =	vmul.f32 $8.191000000e+03, v14;
	[tilespmem:s9+$0x0] =	vst v12  }
0xa3: {  	v14 =	vtrunc.f32 v8;
	v12 =	vtrunc.f32 v9;
	[tilespmem:s9+$0x1000] =	vst v11;
	v11 =	vadd.s32 $0x1, v10  }
0xa4: {  	v17 =	vadd.s32 $0x2000, v10;
	v15 =	vtrunc.f32 v7;
	v16 =	vtrunc.f32 v6;
	[tilespmem:s9+$0xFFFFE010] =	vst v10  }
0xa5: {  	v18 =	vtrunc.f32 v5;
	v19 =	vtrunc.f32 v4;
	v10 =	vadd.s32 $0x2001, v10;
	[tilespmem:s9+$0xFFFFF010] =	vst v11  }
0xa6: {  	v11 =	vcvt.f32.s32 v12;
	v12 =	vcvt.f32.s32 v14;
	v14 =	vadd.s32 $0x1, v13;
	[tilespmem:s9+$0x10] =	vst v17  }
0xa7: {  	v15 =	vcvt.f32.s32 v15;
	v16 =	vcvt.f32.s32 v16;
	v17 =	vadd.s32 $0x2000, v13;
	[tilespmem:s9+$0x1010] =	vst v10;
	s9 =	smov.u32 s8  }
0xa8: {  	vm0 =	vgt.s32 v11, $0x0;
	v10 =	vcvt.f32.s32 v18;
	v18 =	vcvt.f32.s32 v19;
	[tilespmem:s8+$0xFFFFE020] =	vst v13  }
.Ltmp0:
0xa9: {  	vm2 =	vgt.s32 v15, $0x0;
	vm3 =	vgt.s32 v16, $0x0;
	vm1 =	vgt.s32 v12, $0x0;
	[tilespmem:s8+$0xFFFFF020] =	vst v14;
	(pc) =	sbr.rel @p0 .LBB2_2-.Ltmp0, $4  }
0xaa: {  	v11 =	vnsel vm0, $0x0, v11;
	vm0 =	vgt.s32 v10, $0x0;
	vm4 =	vgt.s32 v18, $0x0;
	[tilespmem:s8+$0x20] =	vst v17  }
0xab: {  	v16 =	vnsel vm3, $0x0, v16;
	v12 =	vnsel vm1, $0x0, v12;
	v17 =	vnsel vm2, $0x0, v15  }
0xac: {  	v11 =	vmin.u32 v11, $0x1FFE;
	v14 =	vnsel vm0, $0x0, v10;
	v13 =	vnsel vm4, $0x0, v18  }
0xad: {  	s11 =	sadd.s32 $0x40, s11;
	v15 =	vmin.u32 v12, $0x1FFE;
	v12 =	vmin.u32 v16, $0x1FFE;
	v10 =	vmin.u32 v17, $0x1FFE  }
0xae: {  	v16 =	vcvt.s32.f32 v11  }
0xaf: {  	v54 =	vcvt.s32.f32 v10  }
0xb0: {  	v17 =	vcvt.s32.f32 v15;
	v9 =	vsub.f32 v9, v16  }
0xb1: {  	v56 =	vcvt.s32.f32 v12;
	v14 =	vmin.u32 v14, $0x1FFE;
	v7 =	vsub.f32 v7, v54  }
0xb2: {  	v58 =	vcvt.s32.f32 v14;
	v8 =	vsub.f32 v8, v17;
	[tilespmem:s3+$0xFFFFFFE0] =	vst v9  }
0xb3: {  	v6 =	vsub.f32 v6, v56;
	[tilespmem:s3+$0xFFFFFFF0] =	vst v7  }
0xb4: {  	v60 =	vmin.u32 v13, $0x1FFE;
	v5 =	vsub.f32 v5, v58;
	[tilespmem:s16+$0xFFFFFFE0] =	vst v8  }
0xb5: {  	v53 =	vshll.u32 v15, $0xD;
	v61 =	vcvt.s32.f32 v60;
	[tilespmem:s16+$0xFFFFFFF0] =	vst v6  }
0xb6: {  	v59 =	vshll.u32 v12, $0xD;
	v55 =	vor.u32 v11, v53;
	[tilespmem:s3+$0x0] =	vst v5  }
0xb7: {  	v4 =	vsub.f32 v4, v61;
	v8 =	vor.u32 v10, v59;
	[tilespmem:s8+$0xFFFFDFF0] =	vst v55  }
0xb8: {  	s0 =	sadd.s32 $0x40, s10;
	[tilespmem:s8+$0xFFFFE000] =	vst v8  }
0xb9: {  	s0 =	sand.u32 $0xFC0, s0;
	v15 =	vadd.s32 $0x1, v55;
	[tilespmem:s16+$0x0] =	vst v4  }
0xba: {  	v57 =	vadd.s32 $0x2000, v55;
	[tilespmem:s0+$0x5000] =	vst v15  }
0xbb: {  	v62 =	vadd.s32 $0x2001, v55;
	[tilespmem:s0+$0x6000] =	vst v57  }
0xbc: {  	v5 =	vadd.s32 $0x1, v8;
	[tilespmem:s0+$0x7000] =	vst v62  }
0xbd: {  	v4 =	vadd.s32 $0x2000, v8;
	[tilespmem:s8+$0xFFFFF000] =	vst v5  }
0xbe: {  	v5 =	vshll.u32 v60, $0xD;
	[tilespmem:s9+$0x0] =	vst v4;
	v4 =	vadd.s32 $0x2001, v8  }
0xbf: {  	v5 =	vor.u32 v14, v5;
	[tilespmem:s9+$0x1000] =	vst v4  }
0xc0: {  	v4 =	vadd.s32 $0x1, v5;
	[tilespmem:s9+$0xFFFFE010] =	vst v5  }
0xc1: {  	v63 =	vadd.s32 $0x2000, v5;
	[tilespmem:s9+$0xFFFFF010] =	vst v4  }
0xc2: {  	v4 =	vadd.s32 $0x2001, v5;
	[tilespmem:s9+$0x10] =	vst v63  }
0xc3: {  	s3 =	simm.s32 $0x8000;
	s0 =	simm.s32 $0x200;
	s8 =	simm.s32 $0x4000;
	[tilespmem:s9+$0x1010] =	vst v4  }
.LBB2_4:
0xc4: {  	[tilespmem:s3], [sflag:$0x1] =	stream.indirect.gather [hbm4b:s6+s22], $0x1, s8, s22, $0xb8;
	[tilespmem:$0x1A080] =	vst v63  }
0xc5: {  	s3 =	smov.u32 s0;
	p0 =	sne.s32 s0, $0xFE00  }
.Ltmp1:
0xc6: {  	s0 =	sadd.s32 $0x200, s0;
	(pc) =	sbr.rel @p0 .LBB2_4-.Ltmp1, $3  }
0xc7: {  	_ =	sdelay $0x1  }
0xc8: {  	s8 =	sshra.s32 s3, $0x2  }
0xc9: {  	s3 =	sadd.s32 $0x8000, s8;
	s8 =	sadd.s32 $0x4000, s8  }
0xca: {  	[tilespmem:s3], [sflag:$0x1] =	stream.indirect.gather [hbm4b:s6+s22], $0x1, s8, s22, $0xb8;
	[tilespmem:$0x1A080] =	vst v63  }
.LBB2_6:
0xcb: {  	_ =	swait.ge [sflag:s23], $0x1000  }
0xcc: {  	[sflag:s23] =	ssyncset.done $0x0  }
0xcd: {  	[sflag:s23] =	ssyncadd.s32 $0xFFFFF000  }
0xce: {  	_ =	swait.ge [sflag:s23], $0x1000  }
0xcf: {  	[sflag:s23] =	ssyncset.done $0x0  }
0xd0: {  	s0 =	simm.s32 $0xD020;
	[sflag:s23] =	ssyncadd.s32 $0xFFFFF000  }
0xd1: {  	s3 =	simm.s32 $0xE020;
	v4 =	vld [tilespmem:s0+$0x10]  }
0xd2: {  	v5 =	vld [tilespmem:s3+$0x10]  }
0xd3: {  	v6 =	vld [tilespmem:s3+$0xFFFFFFE0]  }
0xd4: {  	v7 =	vld [tilespmem:s0+$0xFFFFFFF0]  }
0xd5: {  	v8 =	vld [tilespmem:s3+$0xFFFFFFF0]  }
0xd6: {  	v9 =	vld [tilespmem:s0+$0x0]  }
0xd7: {  	v10 =	vld [tilespmem:s3+$0x0]  }
0xd8: {  	s18 =	simm.s32 $0xD060;
	v11 =	vld [tilespmem:s0+$0xFFFFFFE0]  }
0xd9: {  	v22 =	vld [tilespmem:s18+$0x10];
	s0 =	simm.s32 $0xE060  }
0xda: {  	v24 =	vld [tilespmem:s0+$0x10];
	v4 =	vsub.f32 v4, v0  }
0xdb: {  	v5 =	vsub.f32 v5, v1;
	v6 =	vsub.f32 v6, v1  }
0xdc: {  	v7 =	vsub.f32 v7, v0;
	v8 =	vsub.f32 v8, v1  }
0xdd: {  	v9 =	vsub.f32 v9, v0;
	v10 =	vsub.f32 v10, v1  }
0xde: {  	v11 =	vsub.f32 v11, v0;
	v22 =	vsub.f32 v22, v0  }
0xdf: {  	v24 =	vsub.f32 v24, v1;
	v4 =	vadd.f32 v4, v4  }
0xe0: {  	v5 =	vadd.f32 v5, v5;
	v6 =	vadd.f32 v6, v6  }
0xe1: {  	v7 =	vadd.f32 v7, v7;
	v8 =	vadd.f32 v8, v8  }
0xe2: {  	v11 =	vadd.f32 v11, v11;
	v9 =	vadd.f32 v9, v9  }
0xe3: {  	v10 =	vadd.f32 v10, v10;
	v4 =	vmul.f32 v4, v2;
	v5 =	vmul.f32 v5, v3  }
0xe4: {  	v22 =	vadd.f32 v22, v22;
	v6 =	vmul.f32 v6, v3;
	v7 =	vmul.f32 v7, v2  }
0xe5: {  	v24 =	vadd.f32 v24, v24;
	v11 =	vmul.f32 v11, v2;
	v8 =	vmul.f32 v8, v3  }
0xe6: {  	v9 =	vmul.f32 v9, v2;
	v4 =	vadd.f32 $-1.000000000e+00, v4;
	v5 =	vadd.f32 $-1.000000000e+00, v5  }
0xe7: {  	v10 =	vmul.f32 v10, v3;
	v6 =	vadd.f32 $-1.000000000e+00, v6;
	v7 =	vadd.f32 $-1.000000000e+00, v7  }
0xe8: {  	v11 =	vadd.f32 $-1.000000000e+00, v11;
	v8 =	vadd.f32 $-1.000000000e+00, v8  }
0xe9: {  	v9 =	vadd.f32 $-1.000000000e+00, v9;
	v10 =	vadd.f32 $-1.000000000e+00, v10  }
0xea: {  	v22 =	vmul.f32 v22, v2;
	v4 =	vadd.f32 $1.000000000e+00, v4;
	v5 =	vadd.f32 $1.000000000e+00, v5  }
0xeb: {  	v24 =	vmul.f32 v24, v3;
	v11 =	vadd.f32 $1.000000000e+00, v11;
	v6 =	vadd.f32 $1.000000000e+00, v6  }
0xec: {  	v30 =	vld [tilespmem:s18+$0xFFFFFFF0];
	v7 =	vadd.f32 $1.000000000e+00, v7;
	v8 =	vadd.f32 $1.000000000e+00, v8;
	v4 =	vmul.f32 $5.000000000e-01, v4  }
0xed: {  	v27 =	vld [tilespmem:s0+$0xFFFFFFE0];
	v9 =	vadd.f32 $1.000000000e+00, v9;
	v5 =	vmul.f32 $5.000000000e-01, v5;
	v11 =	vmul.f32 $5.000000000e-01, v11  }
0xee: {  	v10 =	vadd.f32 $1.000000000e+00, v10;
	v6 =	vmul.f32 $5.000000000e-01, v6;
	v7 =	vmul.f32 $5.000000000e-01, v7  }
0xef: {  	v8 =	vmul.f32 $5.000000000e-01, v8;
	v9 =	vmul.f32 $5.000000000e-01, v9  }
0xf0: {  	v10 =	vmul.f32 $5.000000000e-01, v10;
	v4 =	vmul.f32 $8.191000000e+03, v4  }
0xf1: {  	v50 =	vsub.f32 v30, v0;
	v5 =	vmul.f32 $8.191000000e+03, v5;
	v11 =	vmul.f32 $8.191000000e+03, v11  }
0xf2: {  	v48 =	vsub.f32 v27, v1;
	v8 =	vmul.f32 $8.191000000e+03, v8;
	v9 =	vmul.f32 $8.191000000e+03, v9  }
0xf3: {  	v22 =	vadd.f32 $-1.000000000e+00, v22;
	v12 =	vtrunc.f32 v4;
	v13 =	vtrunc.f32 v5  }
0xf4: {  	v24 =	vadd.f32 $-1.000000000e+00, v24;
	v16 =	vtrunc.f32 v8;
	v18 =	vtrunc.f32 v9  }
0xf5: {  	v22 =	vadd.f32 $1.000000000e+00, v22;
	v12 =	vcvt.f32.s32 v12;
	v13 =	vcvt.f32.s32 v13  }
0xf6: {  	v53 =	vadd.f32 $1.000000000e+00, v24;
	v16 =	vcvt.f32.s32 v16;
	v18 =	vcvt.f32.s32 v18  }
0xf7: {  	v6 =	vmul.f32 $8.191000000e+03, v6;
	v7 =	vmul.f32 $8.191000000e+03, v7;
	vm0 =	vgt.s32 v12, $0x0  }
0xf8: {  	vm13 =	vgt.s32 v13, $0x0;
	vm3 =	vgt.s32 v16, $0x0;
	vm15 =	vgt.s32 v18, $0x0  }
0xf9: {  	v12 =	vnsel vm0, $0x0, v12;
	v13 =	vnsel vm13, $0x0, v13;
	v16 =	vnsel vm3, $0x0, v16  }
0xfa: {  	v18 =	vnsel vm15, $0x0, v18;
	v12 =	vmin.u32 v12, $0x1FFE;
	v13 =	vmin.u32 v13, $0x1FFE  }
0xfb: {  	v16 =	vmin.u32 v16, $0x1FFE;
	v14 =	vcvt.s32.f32 v12;
	v15 =	vcvt.s32.f32 v13  }
0xfc: {  	v18 =	vmin.u32 v18, $0x1FFE;
	v28 =	vcvt.s32.f32 v16;
	v16 =	vshll.u32 v16, $0xD  }
0xfd: {  	v29 =	vcvt.s32.f32 v18;
	v14 =	vsub.f32 v4, v14;
	v5 =	vsub.f32 v5, v15  }
0xfe: {  	v4 =	vmul.f32 $8.191000000e+03, v10;
	v10 =	vshll.u32 v13, $0xD;
	v13 =	vtrunc.f32 v11  }
0xff: {  	v15 =	vtrunc.f32 v6;
	v8 =	vsub.f32 v8, v28;
	v9 =	vsub.f32 v9, v29  }
0x100: {  	v28 =	vadd.f32 v50, v50;
	v10 =	vor.u32 v12, v10;
	v12 =	vtrunc.f32 v7  }
0x101: {  	v13 =	vcvt.f32.s32 v13;
	v15 =	vcvt.f32.s32 v15;
	v17 =	vadd.s32 $0x2001, v10  }
0x102: {  	s10 =	simm.s32 $0xF020;
	v19 =	vtrunc.f32 v4;
	v20 =	vadd.s32 $0x1, v10;
	v12 =	vcvt.f32.s32 v12  }
0x103: {  	s8 =	simm.s32 $0x10020;
	v21 =	vadd.s32 $0x2000, v10;
	v28 =	vmul.f32 v28, v2;
	[tilespmem:s10+$0x10] =	vst v14;
	vm14 =	vgt.s32 v13, $0x0  }
0x104: {  	s9 =	simm.s32 $0x13010;
	v19 =	vcvt.f32.s32 v19;
	vm1 =	vgt.s32 v15, $0x0;
	[tilespmem:s8+$0x10] =	vst v5;
	vm2 =	vgt.s32 v12, $0x0  }
0x105: {  	v13 =	vnsel vm14, $0x0, v13;
	v15 =	vnsel vm1, $0x0, v15;
	[tilespmem:s9+$0xFFFFE020] =	vst v10;
	v10 =	vadd.f32 $-1.000000000e+00, v28  }
0x106: {  	vm4 =	vgt.s32 v19, $0x0;
	v12 =	vnsel vm2, $0x0, v12;
	v13 =	vmin.u32 v13, $0x1FFE  }
0x107: {  	v46 =	vld [tilespmem:s0+$0xFFFFFFF0];
	v15 =	vmin.u32 v15, $0x1FFE;
	v19 =	vnsel vm4, $0x0, v19;
	v12 =	vmin.u32 v12, $0x1FFE  }
0x108: {  	v47 =	vld [tilespmem:s18+$0xFFFFFFE0];
	v23 =	vcvt.s32.f32 v13;
	v25 =	vcvt.s32.f32 v15;
	v15 =	vshll.u32 v15, $0xD  }
0x109: {  	v10 =	vadd.f32 $1.000000000e+00, v10;
	v19 =	vmin.u32 v19, $0x1FFE;
	v13 =	vor.u32 v13, v15;
	v15 =	vld [tilespmem:s18+$0x0]  }
0x10a: {  	v26 =	vcvt.s32.f32 v12;
	v12 =	vor.u32 v12, v16;
	v16 =	vld [tilespmem:s0+$0x0];
	v11 =	vsub.f32 v11, v23  }
0x10b: {  	v45 =	vcvt.s32.f32 v19;
	v19 =	vshll.u32 v19, $0xD;
	v6 =	vsub.f32 v6, v25  }
0x10c: {  	v49 =	vadd.s32 $0x1, v13;
	v51 =	vadd.s32 $0x2000, v13;
	v25 =	vsub.f32 v46, v1  }
0x10d: {  	v52 =	vadd.s32 $0x2001, v13;
	v54 =	vadd.s32 $0x1, v12;
	v7 =	vsub.f32 v7, v26  }
0x10e: {  	v18 =	vor.u32 v18, v19;
	v26 =	vadd.f32 v48, v48;
	v19 =	vsub.f32 v47, v0  }
0x10f: {  	v10 =	vmul.f32 $5.000000000e-01, v10;
	v15 =	vsub.f32 v15, v0;
	v16 =	vsub.f32 v16, v1  }
0x110: {  	v25 =	vadd.f32 v25, v25;
	v26 =	vmul.f32 v26, v3;
	v14 =	vadd.f32 v19, v19  }
0x111: {  	v5 =	vadd.f32 v15, v15;
	v15 =	vadd.f32 v16, v16;
	v16 =	vmul.f32 $5.000000000e-01, v22  }
0x112: {  	[tilespmem:s10+$0x0] =	vst v9;
	v4 =	vsub.f32 v4, v45;
	v19 =	vmul.f32 $5.000000000e-01, v53;
	v14 =	vmul.f32 v14, v2  }
0x113: {  	[tilespmem:s9+$0x1020] =	vst v17;
	v55 =	vmul.f32 v25, v3;
	v17 =	vadd.f32 $-1.000000000e+00, v26;
	v16 =	vmul.f32 $8.191000000e+03, v16  }
0x114: {  	[tilespmem:s9+$0xFFFFF020] =	vst v20;
	v19 =	vmul.f32 $8.191000000e+03, v19;
	v14 =	vadd.f32 $-1.000000000e+00, v14;
	v5 =	vmul.f32 v5, v2  }
0x115: {  	[tilespmem:s10+$0xFFFFFFE0] =	vst v11;
	v56 =	vadd.f32 $-1.000000000e+00, v55;
	v15 =	vmul.f32 v15, v3;
	v57 =	vtrunc.f32 v16  }
0x116: {  	[tilespmem:s8+$0xFFFFFFE0] =	vst v6;
	v58 =	vtrunc.f32 v19;
	v6 =	vadd.f32 $1.000000000e+00, v14;
	v11 =	vcvt.f32.s32 v57  }
0x117: {  	[tilespmem:s9+$0x20] =	vst v21;
	v5 =	vadd.f32 $-1.000000000e+00, v5;
	v14 =	vadd.f32 $-1.000000000e+00, v15;
	v15 =	vcvt.f32.s32 v58  }
0x118: {  	[tilespmem:s9+$0xFFFFDFF0] =	vst v13;
	v13 =	vadd.f32 $1.000000000e+00, v17;
	v6 =	vmul.f32 $5.000000000e-01, v6;
	vm8 =	vgt.s32 v11, $0x0  }
0x119: {  	[tilespmem:s10+$0xFFFFFFF0] =	vst v7;
	vm9 =	vgt.s32 v15, $0x0;
	v5 =	vadd.f32 $1.000000000e+00, v5;
	v11 =	vnsel vm8, $0x0, v11  }
0x11a: {  	s3 =	simm.s32 $0x0;
	[tilespmem:s8+$0xFFFFFFF0] =	vst v8;
	v7 =	vadd.f32 $1.000000000e+00, v14;
	v15 =	vnsel vm9, $0x0, v15;
	v11 =	vmin.u32 v11, $0x1FFE  }
0x11b: {  	s11 =	sand.u32 $0xFC0, s3;
	[tilespmem:s8+$0x0] =	vst v4;
	v14 =	vmin.u32 v15, $0x1FFE;
	v5 =	vmul.f32 $5.000000000e-01, v5;
	v15 =	vcvt.s32.f32 v11  }
0x11c: {  	[tilespmem:s11+$0x12000] =	vst v49;
	v17 =	vadd.f32 $1.000000000e+00, v56;
	v13 =	vmul.f32 $5.000000000e-01, v13;
	v8 =	vcvt.s32.f32 v14  }
0x11d: {  	[tilespmem:s11+$0x13000] =	vst v51;
	v9 =	vmul.f32 $8.191000000e+03, v6;
	v5 =	vmul.f32 $8.191000000e+03, v5;
	v15 =	vsub.f32 v16, v15  }
0x11e: {  	[tilespmem:s9+$0xFFFFE000] =	vst v12;
	v16 =	vmul.f32 $5.000000000e-01, v17;
	v17 =	vsub.f32 v19, v8;
	v8 =	vshll.u32 v14, $0xD  }
0x11f: {  	[tilespmem:s11+$0x14000] =	vst v52;
	v14 =	vmul.f32 $5.000000000e-01, v7;
	v7 =	vmul.f32 $8.191000000e+03, v10;
	v10 =	vadd.s32 $0x2000, v12  }
0x120: {  	v12 =	vadd.s32 $0x2001, v12;
	v11 =	vor.u32 v11, v8;
	v8 =	vmul.f32 $8.191000000e+03, v13;
	[tilespmem:s9+$0x0] =	vst v10  }
0x121: {  	s16 =	simm.s32 $0xF060;
	v59 =	vadd.s32 $0x2000, v18;
	v10 =	vtrunc.f32 v5;
	[tilespmem:s9+$0x1000] =	vst v12;
	v6 =	vmul.f32 $8.191000000e+03, v16  }
0x122: {  	s31 =	simm.s32 $0x10060;
	v61 =	vadd.s32 $0x2001, v18;
	[tilespmem:s16+$0x10] =	vst v15;
	v4 =	vmul.f32 $8.191000000e+03, v14;
	v14 =	vtrunc.f32 v9  }
0x123: {  	s8 =	simm.s32 $0x13050;
	v13 =	vadd.s32 $0x2001, v11;
	v10 =	vcvt.f32.s32 v10;
	[tilespmem:s31+$0x10] =	vst v17;
	v15 =	vtrunc.f32 v8  }
0x124: {  	v16 =	vadd.s32 $0x1, v18;
	v12 =	vcvt.f32.s32 v14;
	[tilespmem:s8+$0x1020] =	vst v13;
	v13 =	vtrunc.f32 v7  }
0x125: {  	[tilespmem:s9+$0xFFFFF000] =	vst v54;
	v62 =	vadd.s32 $0x2000, v11;
	v17 =	vtrunc.f32 v6;
	v60 =	vtrunc.f32 v4  }
0x126: {  	[tilespmem:s9+$0xFFFFE010] =	vst v18;
	v14 =	vcvt.f32.s32 v15;
	v15 =	vadd.s32 $0x1, v11;
	v13 =	vcvt.f32.s32 v13  }
0x127: {  	[tilespmem:s9+$0xFFFFF010] =	vst v16;
	v17 =	vcvt.f32.s32 v17;
	vm10 =	vgt.s32 v12, $0x0;
	v16 =	vcvt.f32.s32 v60  }
0x128: {  	[tilespmem:s9+$0x10] =	vst v59;
	vm14 =	vgt.s32 v10, $0x0;
	vm11 =	vgt.s32 v14, $0x0;
	v12 =	vnsel vm10, $0x0, v12  }
0x129: {  	[tilespmem:s9+$0x1010] =	vst v61;
	vm12 =	vgt.s32 v13, $0x0;
	vm13 =	vgt.s32 v17, $0x0;
	vm15 =	vgt.s32 v16, $0x0  }
0x12a: {  	[tilespmem:s8+$0xFFFFE020] =	vst v11;
	v63 =	vnsel vm11, $0x0, v14;
	v11 =	vmin.u32 v12, $0x1FFE;
	v14 =	vnsel vm14, $0x0, v10  }
0x12b: {  	[tilespmem:s8+$0x20] =	vst v62;
	v13 =	vnsel vm12, $0x0, v13;
	v17 =	vnsel vm13, $0x0, v17;
	v12 =	vnsel vm15, $0x0, v16  }
0x12c: {  	s10 =	simm.s32 $0x4;
	s11 =	simm.s32 $0xD0A0;
	s9 =	simm.s32 $0x13050;
	[tilespmem:s8+$0xFFFFF020] =	vst v15;
	v15 =	vmin.u32 v63, $0x1FFE;
	v10 =	vmin.u32 v13, $0x1FFE;
	v13 =	vmin.u32 v17, $0x1FFE  }
.LBB2_7:
0x12d: {  	v16 =	vld [tilespmem:s11+$0x10];
	v17 =	vcvt.s32.f32 v11;
	v14 =	vmin.u32 v14, $0x1FFE;
	v12 =	vmin.u32 v12, $0x1FFE;
	s0 =	sadd.s32 $0x40, s0  }
0x12e: {  	v19 =	vcvt.s32.f32 v15;
	v15 =	vshll.u32 v15, $0xD;
	v20 =	vcvt.s32.f32 v10;
	v18 =	vld [tilespmem:s0+$0x10]  }
0x12f: {  	s10 =	sadd.s32 $0x4, s10;
	v22 =	vcvt.s32.f32 v13;
	v13 =	vshll.u32 v13, $0xD;
	v23 =	vcvt.s32.f32 v14;
	v21 =	vld [tilespmem:s0+$0xFFFFFFE0]  }
0x130: {  	p0 =	slt.u32 s10, $0xFC;
	v9 =	vsub.f32 v9, v17;
	v17 =	vcvt.s32.f32 v12;
	v12 =	vshll.u32 v12, $0xD;
	v24 =	vld [tilespmem:s11+$0xFFFFFFF0]  }
0x131: {  	v15 =	vor.u32 v11, v15;
	v8 =	vsub.f32 v8, v19;
	v7 =	vsub.f32 v7, v20;
	v25 =	vld [tilespmem:s0+$0xFFFFFFF0]  }
0x132: {  	v11 =	vor.u32 v10, v13;
	v6 =	vsub.f32 v6, v22;
	v19 =	vld [tilespmem:s11+$0x0];
	v16 =	vsub.f32 v16, v0;
	[tilespmem:s16+$0xFFFFFFE0] =	vst v9  }
0x133: {  	s3 =	sadd.s32 $0x40, s3;
	v5 =	vsub.f32 v5, v23;
	v10 =	vor.u32 v14, v12;
	v9 =	vld [tilespmem:s0+$0x0];
	v13 =	vsub.f32 v18, v1;
	[tilespmem:s31+$0xFFFFFFE0] =	vst v8  }
0x134: {  	s12 =	sand.u32 $0xFC0, s3;
	v8 =	vld [tilespmem:s11+$0xFFFFFFE0];
	v12 =	vsub.f32 v21, v1;
	v14 =	vadd.f32 v16, v16;
	[tilespmem:s8+$0xFFFFDFF0] =	vst v15;
	v16 =	vadd.s32 $0x1, v15  }
0x135: {  	v18 =	vsub.f32 v24, v0;
	v13 =	vadd.f32 v13, v13;
	[tilespmem:s12+$0x12000] =	vst v16;
	v16 =	vadd.s32 $0x2000, v15  }
0x136: {  	v12 =	vadd.f32 v12, v12;
	v20 =	vsub.f32 v25, v1;
	v14 =	vmul.f32 v14, v2;
	[tilespmem:s12+$0x13000] =	vst v16  }
0x137: {  	v16 =	vadd.f32 v18, v18;
	v18 =	vsub.f32 v19, v0;
	v13 =	vmul.f32 v13, v3;
	[tilespmem:s16+$0xFFFFFFF0] =	vst v7  }
0x138: {  	v7 =	vmul.f32 v12, v3;
	v9 =	vsub.f32 v9, v1;
	v12 =	vadd.f32 $-1.000000000e+00, v14;
	[tilespmem:s31+$0xFFFFFFF0] =	vst v6  }
0x139: {  	v6 =	vsub.f32 v8, v0;
	v8 =	vmul.f32 v16, v2;
	v13 =	vadd.f32 $-1.000000000e+00, v13;
	[tilespmem:s8+$0xFFFFE000] =	vst v11  }
0x13a: {  	v15 =	vadd.s32 $0x2001, v15;
	v14 =	vadd.f32 v20, v20;
	v12 =	vadd.f32 $1.000000000e+00, v12;
	[tilespmem:s16+$0x0] =	vst v5  }
0x13b: {  	v5 =	vadd.f32 v6, v6;
	v6 =	vadd.f32 $1.000000000e+00, v13;
	[tilespmem:s12+$0x14000] =	vst v15;
	v13 =	vadd.s32 $0x1, v11  }
0x13c: {  	v9 =	vadd.f32 v9, v9;
	v15 =	vadd.f32 v18, v18;
	v12 =	vmul.f32 $5.000000000e-01, v12;
	[tilespmem:s8+$0xFFFFF000] =	vst v13  }
0x13d: {  	v7 =	vadd.f32 $-1.000000000e+00, v7;
	v5 =	vmul.f32 v5, v2;
	v6 =	vmul.f32 $5.000000000e-01, v6  }
0x13e: {  	v8 =	vadd.f32 $-1.000000000e+00, v8;
	v13 =	vmul.f32 v14, v3;
	v12 =	vmul.f32 $8.191000000e+03, v12  }
0x13f: {  	v14 =	vmul.f32 v15, v2;
	v5 =	vadd.f32 $-1.000000000e+00, v5;
	v6 =	vmul.f32 $8.191000000e+03, v6  }
0x140: {  	v9 =	vmul.f32 v9, v3;
	v13 =	vadd.f32 $-1.000000000e+00, v13;
	v15 =	vtrunc.f32 v12  }
0x141: {  	v14 =	vadd.f32 $-1.000000000e+00, v14;
	v15 =	vcvt.f32.s32 v15;
	v16 =	vtrunc.f32 v6  }
0x142: {  	v9 =	vadd.f32 $-1.000000000e+00, v9;
	v5 =	vadd.f32 $1.000000000e+00, v5;
	v16 =	vcvt.f32.s32 v16  }
0x143: {  	v7 =	vadd.f32 $1.000000000e+00, v7;
	v8 =	vadd.f32 $1.000000000e+00, v8;
	vm0 =	vgt.s32 v15, $0x0  }
0x144: {  	v13 =	vadd.f32 $1.000000000e+00, v13;
	v15 =	vnsel vm0, $0x0, v15;
	vm0 =	vgt.s32 v16, $0x0  }
0x145: {  	v14 =	vadd.f32 $1.000000000e+00, v14;
	v15 =	vmin.u32 v15, $0x1FFE;
	v16 =	vnsel vm0, $0x0, v16  }
0x146: {  	v9 =	vadd.f32 $1.000000000e+00, v9;
	v16 =	vmin.u32 v16, $0x1FFE;
	v18 =	vcvt.s32.f32 v15  }
0x147: {  	v4 =	vsub.f32 v4, v17;
	v5 =	vmul.f32 $5.000000000e-01, v5;
	v19 =	vcvt.s32.f32 v16  }
0x148: {  	v7 =	vmul.f32 $5.000000000e-01, v7;
	v17 =	vmul.f32 $5.000000000e-01, v8;
	v8 =	vsub.f32 v12, v18  }
0x149: {  	s16 =	sadd.s32 $0x40, s16;
	v12 =	vmul.f32 $5.000000000e-01, v13;
	v13 =	vshll.u32 v16, $0xD;
	v6 =	vsub.f32 v6, v19;
	[tilespmem:s31+$0x0] =	vst v4  }
0x14a: {  	v4 =	vmul.f32 $5.000000000e-01, v14;
	v14 =	vmul.f32 $5.000000000e-01, v9;
	v13 =	vor.u32 v15, v13;
	s31 =	sadd.s32 $0x40, s31;
	[tilespmem:s16+$0x10] =	vst v8  }
0x14b: {  	s8 =	sadd.s32 $0x40, s8;
	v9 =	vmul.f32 $8.191000000e+03, v5;
	v8 =	vmul.f32 $8.191000000e+03, v7;
	v5 =	vadd.s32 $0x2001, v13;
	[tilespmem:s31+$0x10] =	vst v6  }
0x14c: {  	v7 =	vmul.f32 $8.191000000e+03, v17;
	v6 =	vmul.f32 $8.191000000e+03, v12;
	v12 =	vadd.s32 $0x2000, v11;
	[tilespmem:s8+$0x1020] =	vst v5  }
0x14d: {  	v11 =	vadd.s32 $0x2001, v11;
	v5 =	vmul.f32 $8.191000000e+03, v4;
	v4 =	vmul.f32 $8.191000000e+03, v14;
	[tilespmem:s9+$0x0] =	vst v12  }
0x14e: {  	v14 =	vtrunc.f32 v8;
	v12 =	vtrunc.f32 v9;
	[tilespmem:s9+$0x1000] =	vst v11;
	v11 =	vadd.s32 $0x1, v10  }
0x14f: {  	v17 =	vadd.s32 $0x2000, v10;
	v15 =	vtrunc.f32 v7;
	v16 =	vtrunc.f32 v6;
	[tilespmem:s9+$0xFFFFE010] =	vst v10  }
0x150: {  	v18 =	vtrunc.f32 v5;
	v19 =	vtrunc.f32 v4;
	v10 =	vadd.s32 $0x2001, v10;
	[tilespmem:s9+$0xFFFFF010] =	vst v11  }
0x151: {  	v11 =	vcvt.f32.s32 v12;
	v12 =	vcvt.f32.s32 v14;
	v14 =	vadd.s32 $0x1, v13;
	[tilespmem:s9+$0x10] =	vst v17  }
0x152: {  	v15 =	vcvt.f32.s32 v15;
	v16 =	vcvt.f32.s32 v16;
	v17 =	vadd.s32 $0x2000, v13;
	[tilespmem:s9+$0x1010] =	vst v10;
	s9 =	smov.u32 s8  }
0x153: {  	vm0 =	vgt.s32 v11, $0x0;
	v10 =	vcvt.f32.s32 v18;
	v18 =	vcvt.f32.s32 v19;
	[tilespmem:s8+$0xFFFFE020] =	vst v13  }
.Ltmp2:
0x154: {  	vm2 =	vgt.s32 v15, $0x0;
	vm3 =	vgt.s32 v16, $0x0;
	vm1 =	vgt.s32 v12, $0x0;
	[tilespmem:s8+$0xFFFFF020] =	vst v14;
	(pc) =	sbr.rel @p0 .LBB2_7-.Ltmp2, $4  }
0x155: {  	v11 =	vnsel vm0, $0x0, v11;
	vm0 =	vgt.s32 v10, $0x0;
	vm4 =	vgt.s32 v18, $0x0;
	[tilespmem:s8+$0x20] =	vst v17  }
0x156: {  	v16 =	vnsel vm3, $0x0, v16;
	v13 =	vnsel vm1, $0x0, v12;
	v17 =	vnsel vm2, $0x0, v15  }
0x157: {  	v11 =	vmin.u32 v11, $0x1FFE;
	v14 =	vnsel vm0, $0x0, v10;
	v12 =	vnsel vm4, $0x0, v18  }
0x158: {  	s11 =	sadd.s32 $0x40, s11;
	v15 =	vmin.u32 v13, $0x1FFE;
	v13 =	vmin.u32 v16, $0x1FFE;
	v10 =	vmin.u32 v17, $0x1FFE  }
0x159: {  	v16 =	vcvt.s32.f32 v11  }
0x15a: {  	v54 =	vcvt.s32.f32 v10  }
0x15b: {  	v17 =	vcvt.s32.f32 v15;
	v9 =	vsub.f32 v9, v16  }
0x15c: {  	v56 =	vcvt.s32.f32 v13;
	v14 =	vmin.u32 v14, $0x1FFE;
	v7 =	vsub.f32 v7, v54  }
0x15d: {  	v58 =	vcvt.s32.f32 v14;
	v8 =	vsub.f32 v8, v17;
	[tilespmem:s16+$0xFFFFFFE0] =	vst v9  }
0x15e: {  	v6 =	vsub.f32 v6, v56;
	[tilespmem:s16+$0xFFFFFFF0] =	vst v7  }
0x15f: {  	v60 =	vmin.u32 v12, $0x1FFE;
	v5 =	vsub.f32 v5, v58;
	[tilespmem:s31+$0xFFFFFFE0] =	vst v8  }
0x160: {  	v53 =	vshll.u32 v15, $0xD;
	v61 =	vcvt.s32.f32 v60;
	[tilespmem:s31+$0xFFFFFFF0] =	vst v6  }
0x161: {  	v59 =	vshll.u32 v13, $0xD;
	v55 =	vor.u32 v11, v53;
	[tilespmem:s16+$0x0] =	vst v5  }
0x162: {  	v4 =	vsub.f32 v4, v61;
	v8 =	vor.u32 v10, v59;
	[tilespmem:s8+$0xFFFFDFF0] =	vst v55  }
0x163: {  	s0 =	sadd.s32 $0x40, s3;
	[tilespmem:s8+$0xFFFFE000] =	vst v8  }
0x164: {  	s0 =	sand.u32 $0xFC0, s0;
	v15 =	vadd.s32 $0x1, v55;
	[tilespmem:s31+$0x0] =	vst v4  }
0x165: {  	v57 =	vadd.s32 $0x2000, v55;
	[tilespmem:s0+$0x12000] =	vst v15  }
0x166: {  	v62 =	vadd.s32 $0x2001, v55;
	[tilespmem:s0+$0x13000] =	vst v57  }
0x167: {  	v5 =	vadd.s32 $0x1, v8;
	[tilespmem:s0+$0x14000] =	vst v62  }
0x168: {  	v4 =	vadd.s32 $0x2000, v8;
	[tilespmem:s8+$0xFFFFF000] =	vst v5  }
0x169: {  	v5 =	vshll.u32 v60, $0xD;
	[tilespmem:s9+$0x0] =	vst v4;
	v4 =	vadd.s32 $0x2001, v8  }
0x16a: {  	v5 =	vor.u32 v14, v5;
	[tilespmem:s9+$0x1000] =	vst v4  }
0x16b: {  	v4 =	vadd.s32 $0x1, v5;
	[tilespmem:s9+$0xFFFFE010] =	vst v5  }
0x16c: {  	v63 =	vadd.s32 $0x2000, v5;
	[tilespmem:s9+$0xFFFFF010] =	vst v4  }
0x16d: {  	v4 =	vadd.s32 $0x2001, v5;
	[tilespmem:s9+$0x10] =	vst v63  }
0x16e: {  	s3 =	simm.s32 $0x15000;
	s0 =	simm.s32 $0x200;
	s8 =	simm.s32 $0x11000;
	[tilespmem:s9+$0x1010] =	vst v4  }
.LBB2_9:
0x16f: {  	[tilespmem:s3], [sflag:$0x3] =	stream.indirect.gather [hbm4b:s6+s22], $0x1, s8, s22, $0xb8;
	[tilespmem:$0x1A080] =	vst v63  }
0x170: {  	s3 =	smov.u32 s0;
	p0 =	sne.s32 s0, $0xFE00  }
.Ltmp3:
0x171: {  	s0 =	sadd.s32 $0x200, s0;
	(pc) =	sbr.rel @p0 .LBB2_9-.Ltmp3, $3  }
0x172: {  	_ =	sdelay $0x1  }
0x173: {  	s8 =	sshra.s32 s3, $0x2  }
0x174: {  	s3 =	sadd.s32 $0x15000, s8;
	s8 =	sadd.s32 $0x11000, s8  }
0x175: {  	[tilespmem:s3], [sflag:$0x3] =	stream.indirect.gather [hbm4b:s6+s22], $0x1, s8, s22, $0xb8;
	[tilespmem:$0x1A080] =	vst v63  }
0x176: {  	s31 =	sshll.u32 s30, $0xD;
	p0 =	seq.s32 s30, $0x7  }
0x177: {  	s0 =	sadd.s32 @!p0 s31, s13  }
0x178: {  	s0 =	sshrl.u32 @!p0 s0, $0x3  }
0x179: {  	s8 =	simm.s32 @!p0 $0x0;
	s3 =	sadd.s32 @!p0 s4, s0  }
0x17a: {  	[tilespmem:s8], [sflag:$0x2] =	stream.linear.gather @!p0 [hbm4b:s3+s8], $0x1000, $0x38;
	[tilespmem:$0x1A080] =	vst v63  }
0x17b: {  	s0 =	sadd.s32 @!p0 s5, s0;
	s3 =	simm.s32 @!p0 $0x1000  }
0x17c: {  	[tilespmem:s3], [sflag:$0x2] =	stream.linear.gather @!p0 [hbm4b:s0+s8], $0x1000, $0x38;
	[tilespmem:$0x1A080] =	vst v63  }
0x17d: {  	_ =	swait.ge [sflag:s24], $0x4000  }
0x17e: {  	s16 =	simm.s32 $0x0;
	[sflag:s24] =	ssyncset.done $0x0  }
0x17f: {  	s18 =	sand.u32 $0xFC0, s16;
	[sflag:s24] =	ssyncadd.s32 $0xFFFFC000  }
0x180: {  	v7 =	vld [tilespmem:s18+$0xB000]  }
0x181: {  	v6 =	vld [tilespmem:s18+$0xA000]  }
0x182: {  	s0 =	simm.s32 $0xA010;
	v8 =	vld [tilespmem:s18+$0x9000]  }
0x183: {  	s3 =	simm.s32 $0x3020;
	v9 =	vld [tilespmem:s0+$0xFFFFE020]  }
0x184: {  	v10 =	vld [tilespmem:s3+$0x10]  }
0x185: {  	s8 =	simm.s32 $0x2020;
	v11 =	vld [tilespmem:s0+$0xFFFFF020]  }
0x186: {  	v13 =	vld [tilespmem:s8+$0x10]  }
0x187: {  	v12 =	vld [tilespmem:s0+$0x20]  }
0x188: {  	v14 =	vld [tilespmem:s3+$0xFFFFFFE0]  }
0x189: {  	v5 =	vld [tilespmem:s3+$0xFFFFFFF0]  }
0x18a: {  	v16 =	vld [tilespmem:s0+$0x1020];
	v15 =	vsub.f32 $1.000000000e+00, v10  }
0x18b: {  	v19 =	vld [tilespmem:s0+$0xFFFFE000]  }
0x18c: {  	v4 =	vld [tilespmem:s3+$0x0];
	v17 =	vsub.f32 $1.000000000e+00, v13;
	v18 =	vmul.f32 v15, v9;
	v11 =	vmul.f32 v15, v11  }
0x18d: {  	v20 =	vld [tilespmem:s0+$0xFFFFF000];
	v12 =	vmul.f32 v10, v12  }
0x18e: {  	v22 =	vsub.f32 $1.000000000e+00, v5;
	v15 =	vld [tilespmem:s8+$0xFFFFFFE0];
	v18 =	vmul.f32 v18, v17;
	v11 =	vmul.f32 v11, v13  }
0x18f: {  	v21 =	vmul.f32 v14, v6;
	v6 =	vld [tilespmem:s8+$0xFFFFFFF0];
	v10 =	vmul.f32 v10, v16;
	v9 =	vsub.f32 $1.000000000e+00, v14  }
0x190: {  	v16 =	vmul.f32 v12, v17;
	v24 =	vmul.f32 v22, v19;
	v17 =	vld [tilespmem:s0+$0xFFFFE010];
	v11 =	vadd.f32 v11, v18  }
0x191: {  	v23 =	vld [tilespmem:s0+$0xFFFFF010];
	v25 =	vsub.f32 $1.000000000e+00, v4;
	v8 =	vmul.f32 v9, v8;
	v18 =	vmul.f32 v14, v7  }
0x192: {  	v19 =	vmul.f32 v22, v20;
	v13 =	vmul.f32 v10, v13;
	v7 =	vld [tilespmem:s8+$0x0];
	v16 =	vadd.f32 v11, v16  }
0x193: {  	v14 =	vld [tilespmem:s0+$0xFFFFDFF0];
	v12 =	vsub.f32 $1.000000000e+00, v15;
	v11 =	vmul.f32 v8, v15;
	v8 =	vmul.f32 v18, v15  }
0x194: {  	v15 =	vld [tilespmem:s0+$0x0];
	v18 =	vmul.f32 v19, v6;
	v20 =	vadd.f32 v16, v13;
	v13 =	vsub.f32 $1.000000000e+00, v6  }
0x195: {  	s9 =	simm.s32 $0xC020;
	v10 =	vmul.f32 v21, v12;
	v19 =	vmul.f32 v25, v17;
	v16 =	vld [tilespmem:s0+$0x10]  }
0x196: {  	s11 =	simm.s32 $0x0;
	s12 =	simm.s32 $0x40;
	s10 =	sor.u32 s31, s7;
	v17 =	vld [tilespmem:s0+$0x1000];
	v21 =	vmul.f32 v25, v23;
	[tilespmem:s9+$0x10] =	vst v20;
	v20 =	vmul.f32 v24, v13  }
.LBB2_11:
0x197: {  	s16 =	sand.u32 $0xFC0, s12;
	v22 =	vld [tilespmem:s0+$0x1010];
	v23 =	vsub.f32 $1.000000000e+00, v7  }
0x198: {  	v24 =	vld [tilespmem:s16+$0xB000];
	v9 =	vmul.f32 v9, v14;
	v14 =	vadd.f32 v18, v20;
	v18 =	vmul.f32 v21, v7  }
0x199: {  	v20 =	vld [tilespmem:s16+$0xA000];
	v15 =	vmul.f32 v5, v15;
	v19 =	vmul.f32 v19, v23  }
0x19a: {  	s0 =	sadd.s32 $0x40, s0;
	v21 =	vld [tilespmem:s16+$0x9000];
	v9 =	vmul.f32 v9, v12;
	v12 =	vmul.f32 v4, v16  }
0x19b: {  	s3 =	sadd.s32 $0x40, s3;
	v16 =	vld [tilespmem:s0+$0xFFFFE020];
	v13 =	vmul.f32 v15, v13;
	v5 =	vmul.f32 v5, v17;
	v15 =	vadd.f32 v18, v19  }
0x19c: {  	s11 =	sadd.s32 $0x4, s11;
	v17 =	vld [tilespmem:s3+$0x10];
	v9 =	vadd.f32 v11, v9;
	v11 =	vmul.f32 v12, v23;
	v4 =	vmul.f32 v4, v22  }
0x19d: {  	s8 =	sadd.s32 $0x40, s8;
	p1 =	slt.u32 s11, $0xFC;
	v12 =	vld [tilespmem:s0+$0xFFFFF020];
	v13 =	vadd.f32 v14, v13;
	v5 =	vmul.f32 v5, v6  }
0x19e: {  	v14 =	vld [tilespmem:s8+$0x10];
	v6 =	vadd.f32 v9, v10;
	v9 =	vadd.f32 v15, v11;
	v4 =	vmul.f32 v4, v7  }
0x19f: {  	v7 =	vld [tilespmem:s0+$0x20];
	v10 =	vadd.f32 v13, v5  }
0x1a0: {  	v11 =	vld [tilespmem:s3+$0xFFFFFFE0];
	v6 =	vadd.f32 v6, v8;
	v8 =	vadd.f32 v9, v4  }
0x1a1: {  	v5 =	vld [tilespmem:s3+$0xFFFFFFF0];
	v9 =	vsub.f32 $1.000000000e+00, v17;
	[tilespmem:s9+$0xFFFFFFF0] =	vst v10  }
0x1a2: {  	v10 =	vld [tilespmem:s0+$0x1020];
	[tilespmem:s9+$0xFFFFFFE0] =	vst v6  }
0x1a3: {  	v4 =	vld [tilespmem:s3+$0x0];
	v13 =	vsub.f32 $1.000000000e+00, v14;
	v6 =	vmul.f32 v9, v16;
	v12 =	vmul.f32 v9, v12;
	[tilespmem:s9+$0x0] =	vst v8  }
0x1a4: {  	v8 =	vld [tilespmem:s8+$0xFFFFFFE0];
	v7 =	vmul.f32 v17, v7  }
0x1a5: {  	v9 =	vsub.f32 $1.000000000e+00, v11;
	v15 =	vld [tilespmem:s0+$0xFFFFE000];
	v16 =	vmul.f32 v6, v13;
	v12 =	vmul.f32 v12, v14  }
0x1a6: {  	v18 =	vmul.f32 v11, v20;
	v19 =	vmul.f32 v11, v24;
	v20 =	vld [tilespmem:s0+$0xFFFFF000];
	v22 =	vsub.f32 $1.000000000e+00, v5  }
0x1a7: {  	v7 =	vmul.f32 v7, v13;
	v6 =	vld [tilespmem:s8+$0xFFFFFFF0];
	v11 =	vadd.f32 v12, v16;
	v10 =	vmul.f32 v17, v10  }
0x1a8: {  	v13 =	vmul.f32 v9, v21;
	v17 =	vld [tilespmem:s0+$0xFFFFE010];
	v21 =	vsub.f32 $1.000000000e+00, v4  }
0x1a9: {  	v12 =	vsub.f32 $1.000000000e+00, v8;
	v23 =	vld [tilespmem:s0+$0xFFFFF010];
	v16 =	vadd.f32 v11, v7;
	v24 =	vmul.f32 v10, v14  }
.Ltmp4:
0x1aa: {  	v11 =	vmul.f32 v13, v8;
	v25 =	vmul.f32 v22, v15;
	v7 =	vld [tilespmem:s8+$0x0];
	(pc) =	sbr.rel @p1 .LBB2_11-.Ltmp4, $4  }
0x1ab: {  	v14 =	vld [tilespmem:s0+$0xFFFFDFF0];
	v10 =	vmul.f32 v18, v12;
	v18 =	vmul.f32 v22, v20;
	v20 =	vadd.f32 v16, v24  }
0x1ac: {  	s9 =	sadd.s32 $0x40, s9;
	v8 =	vmul.f32 v19, v8;
	v15 =	vld [tilespmem:s0+$0x0];
	v13 =	vsub.f32 $1.000000000e+00, v6  }
0x1ad: {  	v18 =	vmul.f32 v18, v6;
	v16 =	vld [tilespmem:s0+$0x10];
	v19 =	vmul.f32 v21, v17;
	[tilespmem:s9+$0x10] =	vst v20  }
0x1ae: {  	s12 =	sadd.s32 $0x40, s12;
	v17 =	vld [tilespmem:s0+$0x1000];
	v20 =	vmul.f32 v25, v13;
	v21 =	vmul.f32 v21, v23  }
0x1af: {  	v22 =	vsub.f32 $1.000000000e+00, v7  }
0x1b0: {  	v23 =	vld [tilespmem:s0+$0x1010];
	v9 =	vmul.f32 v9, v14;
	v57 =	vmul.f32 v21, v7  }
0x1b1: {  	v15 =	vmul.f32 v5, v15;
	v19 =	vmul.f32 v19, v22  }
0x1b2: {  	v9 =	vmul.f32 v9, v12;
	v58 =	vmul.f32 v4, v16  }
0x1b3: {  	v59 =	vadd.f32 v18, v20;
	v13 =	vmul.f32 v15, v13;
	v5 =	vmul.f32 v5, v17  }
0x1b4: {  	v14 =	vadd.f32 v57, v19;
	v9 =	vadd.f32 v11, v9;
	v60 =	vmul.f32 v58, v22  }
0x1b5: {  	v4 =	vmul.f32 v4, v23;
	v61 =	vadd.f32 v59, v13;
	v5 =	vmul.f32 v5, v6  }
0x1b6: {  	v62 =	vadd.f32 v9, v10  }
0x1b7: {  	v63 =	vadd.f32 v14, v60;
	v4 =	vmul.f32 v4, v7;
	v5 =	vadd.f32 v61, v5  }
0x1b8: {  	v6 =	vadd.f32 v62, v8  }
0x1b9: {  	v4 =	vadd.f32 v63, v4;
	[tilespmem:s9+$0xFFFFFFF0] =	vst v5  }
0x1ba: {  	s0 =	sshrl.u32 s10, $0x3;
	[tilespmem:s9+$0xFFFFFFE0] =	vst v6  }
.Ltmp5:
0x1bb: {  	s3 =	sadd.s32 s1, s0;
	[tilespmem:s9+$0x0] =	vst v4;
	(pc) =	sbr.rel @p0 .LBB2_18-.Ltmp5, $4  }
0x1bc: {  	[hbm4b:s3+s2] =	stream.linear.scatter [tilespmem:s25], [sflag:$0x5], $0x1000, $0x38;
	[tilespmem:$0x1A080] =	vst v63  }
0x1bd: {  	_ =	swait.ge [sflag:s17], $0x1000  }
0x1be: {  	[sflag:s17] =	ssyncset.done $0x0  }
0x1bf: {  	[sflag:s17] =	ssyncadd.s32 $0xFFFFF000  }
0x1c0: {  	_ =	swait.ge [sflag:s21], $0x1000  }
0x1c1: {  	[sflag:s21] =	ssyncset.done $0x0  }
0x1c2: {  	[sflag:s21] =	ssyncadd.s32 $0xFFFFF000  }
0x1c3: {  	_ =	swait.ge [sflag:s21], $0x1000  }
0x1c4: {  	[sflag:s21] =	ssyncset.done $0x0  }
0x1c5: {  	s3 =	simm.s32 $0x20;
	[sflag:s21] =	ssyncadd.s32 $0xFFFFF000  }
0x1c6: {  	s8 =	simm.s32 $0x1020;
	v4 =	vld [tilespmem:s3+$0x10]  }
0x1c7: {  	v5 =	vld [tilespmem:s8+$0x10]  }
0x1c8: {  	v6 =	vld [tilespmem:s8+$0xFFFFFFE0]  }
0x1c9: {  	v7 =	vld [tilespmem:s3+$0xFFFFFFF0]  }
0x1ca: {  	v8 =	vld [tilespmem:s8+$0xFFFFFFF0]  }
0x1cb: {  	v9 =	vld [tilespmem:s3+$0x0]  }
0x1cc: {  	v10 =	vld [tilespmem:s8+$0x0]  }
0x1cd: {  	s16 =	simm.s32 $0x60;
	v11 =	vld [tilespmem:s3+$0xFFFFFFE0]  }
0x1ce: {  	v22 =	vld [tilespmem:s16+$0x10];
	s3 =	simm.s32 $0x1060  }
0x1cf: {  	v24 =	vld [tilespmem:s3+$0x10];
	v4 =	vsub.f32 v4, v0  }
0x1d0: {  	v5 =	vsub.f32 v5, v1;
	v6 =	vsub.f32 v6, v1  }
0x1d1: {  	v7 =	vsub.f32 v7, v0;
	v8 =	vsub.f32 v8, v1  }
0x1d2: {  	v9 =	vsub.f32 v9, v0;
	v10 =	vsub.f32 v10, v1  }
0x1d3: {  	v11 =	vsub.f32 v11, v0;
	v22 =	vsub.f32 v22, v0  }
0x1d4: {  	v24 =	vsub.f32 v24, v1;
	v4 =	vadd.f32 v4, v4  }
0x1d5: {  	v5 =	vadd.f32 v5, v5;
	v6 =	vadd.f32 v6, v6  }
0x1d6: {  	v7 =	vadd.f32 v7, v7;
	v8 =	vadd.f32 v8, v8  }
0x1d7: {  	v11 =	vadd.f32 v11, v11;
	v9 =	vadd.f32 v9, v9  }
0x1d8: {  	v10 =	vadd.f32 v10, v10;
	v4 =	vmul.f32 v4, v2;
	v5 =	vmul.f32 v5, v3  }
0x1d9: {  	v22 =	vadd.f32 v22, v22;
	v6 =	vmul.f32 v6, v3;
	v7 =	vmul.f32 v7, v2  }
0x1da: {  	v24 =	vadd.f32 v24, v24;
	v11 =	vmul.f32 v11, v2;
	v8 =	vmul.f32 v8, v3  }
0x1db: {  	v9 =	vmul.f32 v9, v2;
	v4 =	vadd.f32 $-1.000000000e+00, v4;
	v5 =	vadd.f32 $-1.000000000e+00, v5  }
0x1dc: {  	v10 =	vmul.f32 v10, v3;
	v6 =	vadd.f32 $-1.000000000e+00, v6;
	v7 =	vadd.f32 $-1.000000000e+00, v7  }
0x1dd: {  	v11 =	vadd.f32 $-1.000000000e+00, v11;
	v8 =	vadd.f32 $-1.000000000e+00, v8  }
0x1de: {  	v9 =	vadd.f32 $-1.000000000e+00, v9;
	v10 =	vadd.f32 $-1.000000000e+00, v10  }
0x1df: {  	v22 =	vmul.f32 v22, v2;
	v4 =	vadd.f32 $1.000000000e+00, v4;
	v5 =	vadd.f32 $1.000000000e+00, v5  }
0x1e0: {  	v24 =	vmul.f32 v24, v3;
	v11 =	vadd.f32 $1.000000000e+00, v11;
	v6 =	vadd.f32 $1.000000000e+00, v6  }
0x1e1: {  	v30 =	vld [tilespmem:s16+$0xFFFFFFF0];
	v7 =	vadd.f32 $1.000000000e+00, v7;
	v8 =	vadd.f32 $1.000000000e+00, v8;
	v4 =	vmul.f32 $5.000000000e-01, v4  }
0x1e2: {  	v27 =	vld [tilespmem:s3+$0xFFFFFFE0];
	v9 =	vadd.f32 $1.000000000e+00, v9;
	v5 =	vmul.f32 $5.000000000e-01, v5;
	v11 =	vmul.f32 $5.000000000e-01, v11  }
0x1e3: {  	v10 =	vadd.f32 $1.000000000e+00, v10;
	v6 =	vmul.f32 $5.000000000e-01, v6;
	v7 =	vmul.f32 $5.000000000e-01, v7  }
0x1e4: {  	v8 =	vmul.f32 $5.000000000e-01, v8;
	v9 =	vmul.f32 $5.000000000e-01, v9  }
0x1e5: {  	v10 =	vmul.f32 $5.000000000e-01, v10;
	v4 =	vmul.f32 $8.191000000e+03, v4  }
0x1e6: {  	v50 =	vsub.f32 v30, v0;
	v5 =	vmul.f32 $8.191000000e+03, v5;
	v11 =	vmul.f32 $8.191000000e+03, v11  }
0x1e7: {  	v48 =	vsub.f32 v27, v1;
	v8 =	vmul.f32 $8.191000000e+03, v8;
	v9 =	vmul.f32 $8.191000000e+03, v9  }
0x1e8: {  	v22 =	vadd.f32 $-1.000000000e+00, v22;
	v12 =	vtrunc.f32 v4;
	v13 =	vtrunc.f32 v5  }
0x1e9: {  	v24 =	vadd.f32 $-1.000000000e+00, v24;
	v16 =	vtrunc.f32 v8;
	v18 =	vtrunc.f32 v9  }
0x1ea: {  	v22 =	vadd.f32 $1.000000000e+00, v22;
	v12 =	vcvt.f32.s32 v12;
	v13 =	vcvt.f32.s32 v13  }
0x1eb: {  	v53 =	vadd.f32 $1.000000000e+00, v24;
	v16 =	vcvt.f32.s32 v16;
	v18 =	vcvt.f32.s32 v18  }
0x1ec: {  	v6 =	vmul.f32 $8.191000000e+03, v6;
	v7 =	vmul.f32 $8.191000000e+03, v7;
	vm0 =	vgt.s32 v12, $0x0  }
0x1ed: {  	vm13 =	vgt.s32 v13, $0x0;
	vm3 =	vgt.s32 v16, $0x0;
	vm15 =	vgt.s32 v18, $0x0  }
0x1ee: {  	v12 =	vnsel vm0, $0x0, v12;
	v13 =	vnsel vm13, $0x0, v13;
	v16 =	vnsel vm3, $0x0, v16  }
0x1ef: {  	v18 =	vnsel vm15, $0x0, v18;
	v12 =	vmin.u32 v12, $0x1FFE;
	v13 =	vmin.u32 v13, $0x1FFE  }
0x1f0: {  	v16 =	vmin.u32 v16, $0x1FFE;
	v14 =	vcvt.s32.f32 v12;
	v15 =	vcvt.s32.f32 v13  }
0x1f1: {  	v18 =	vmin.u32 v18, $0x1FFE;
	v28 =	vcvt.s32.f32 v16;
	v16 =	vshll.u32 v16, $0xD  }
0x1f2: {  	v29 =	vcvt.s32.f32 v18;
	v14 =	vsub.f32 v4, v14;
	v5 =	vsub.f32 v5, v15  }
0x1f3: {  	v4 =	vmul.f32 $8.191000000e+03, v10;
	v10 =	vshll.u32 v13, $0xD;
	v13 =	vtrunc.f32 v11  }
0x1f4: {  	v15 =	vtrunc.f32 v6;
	v8 =	vsub.f32 v8, v28;
	v9 =	vsub.f32 v9, v29  }
0x1f5: {  	v28 =	vadd.f32 v50, v50;
	v10 =	vor.u32 v12, v10;
	v12 =	vtrunc.f32 v7  }
0x1f6: {  	v13 =	vcvt.f32.s32 v13;
	v15 =	vcvt.f32.s32 v15;
	v17 =	vadd.s32 $0x2001, v10  }
0x1f7: {  	s9 =	simm.s32 $0x2020;
	v19 =	vtrunc.f32 v4;
	v20 =	vadd.s32 $0x1, v10;
	v12 =	vcvt.f32.s32 v12  }
0x1f8: {  	s18 =	simm.s32 $0x3020;
	v21 =	vadd.s32 $0x2000, v10;
	v28 =	vmul.f32 v28, v2;
	[tilespmem:s9+$0x10] =	vst v14;
	vm14 =	vgt.s32 v13, $0x0  }
0x1f9: {  	s10 =	simm.s32 $0x6010;
	v19 =	vcvt.f32.s32 v19;
	vm1 =	vgt.s32 v15, $0x0;
	[tilespmem:s18+$0x10] =	vst v5;
	vm2 =	vgt.s32 v12, $0x0  }
0x1fa: {  	v13 =	vnsel vm14, $0x0, v13;
	v15 =	vnsel vm1, $0x0, v15;
	[tilespmem:s10+$0xFFFFE020] =	vst v10;
	v10 =	vadd.f32 $-1.000000000e+00, v28  }
0x1fb: {  	vm4 =	vgt.s32 v19, $0x0;
	v12 =	vnsel vm2, $0x0, v12;
	v13 =	vmin.u32 v13, $0x1FFE  }
0x1fc: {  	v46 =	vld [tilespmem:s3+$0xFFFFFFF0];
	v15 =	vmin.u32 v15, $0x1FFE;
	v19 =	vnsel vm4, $0x0, v19;
	v12 =	vmin.u32 v12, $0x1FFE  }
0x1fd: {  	v47 =	vld [tilespmem:s16+$0xFFFFFFE0];
	v23 =	vcvt.s32.f32 v13;
	v25 =	vcvt.s32.f32 v15;
	v15 =	vshll.u32 v15, $0xD  }
0x1fe: {  	v10 =	vadd.f32 $1.000000000e+00, v10;
	v19 =	vmin.u32 v19, $0x1FFE;
	v13 =	vor.u32 v13, v15;
	v15 =	vld [tilespmem:s16+$0x0]  }
0x1ff: {  	v26 =	vcvt.s32.f32 v12;
	v12 =	vor.u32 v12, v16;
	v16 =	vld [tilespmem:s3+$0x0];
	v11 =	vsub.f32 v11, v23  }
0x200: {  	v45 =	vcvt.s32.f32 v19;
	v19 =	vshll.u32 v19, $0xD;
	v6 =	vsub.f32 v6, v25  }
0x201: {  	v49 =	vadd.s32 $0x1, v13;
	v51 =	vadd.s32 $0x2000, v13;
	v25 =	vsub.f32 v46, v1  }
0x202: {  	v52 =	vadd.s32 $0x2001, v13;
	v54 =	vadd.s32 $0x1, v12;
	v7 =	vsub.f32 v7, v26  }
0x203: {  	v18 =	vor.u32 v18, v19;
	v26 =	vadd.f32 v48, v48;
	v19 =	vsub.f32 v47, v0  }
0x204: {  	v10 =	vmul.f32 $5.000000000e-01, v10;
	v15 =	vsub.f32 v15, v0;
	v16 =	vsub.f32 v16, v1  }
0x205: {  	v25 =	vadd.f32 v25, v25;
	v26 =	vmul.f32 v26, v3;
	v14 =	vadd.f32 v19, v19  }
0x206: {  	v5 =	vadd.f32 v15, v15;
	v15 =	vadd.f32 v16, v16;
	v16 =	vmul.f32 $5.000000000e-01, v22  }
0x207: {  	[tilespmem:s9+$0x0] =	vst v9;
	v4 =	vsub.f32 v4, v45;
	v19 =	vmul.f32 $5.000000000e-01, v53;
	v14 =	vmul.f32 v14, v2  }
0x208: {  	[tilespmem:s10+$0x1020] =	vst v17;
	v55 =	vmul.f32 v25, v3;
	v17 =	vadd.f32 $-1.000000000e+00, v26;
	v16 =	vmul.f32 $8.191000000e+03, v16  }
0x209: {  	[tilespmem:s10+$0xFFFFF020] =	vst v20;
	v19 =	vmul.f32 $8.191000000e+03, v19;
	v14 =	vadd.f32 $-1.000000000e+00, v14;
	v5 =	vmul.f32 v5, v2  }
0x20a: {  	[tilespmem:s9+$0xFFFFFFE0] =	vst v11;
	v56 =	vadd.f32 $-1.000000000e+00, v55;
	v15 =	vmul.f32 v15, v3;
	v57 =	vtrunc.f32 v16  }
0x20b: {  	[tilespmem:s18+$0xFFFFFFE0] =	vst v6;
	v58 =	vtrunc.f32 v19;
	v6 =	vadd.f32 $1.000000000e+00, v14;
	v11 =	vcvt.f32.s32 v57  }
0x20c: {  	[tilespmem:s10+$0x20] =	vst v21;
	v5 =	vadd.f32 $-1.000000000e+00, v5;
	v14 =	vadd.f32 $-1.000000000e+00, v15;
	v15 =	vcvt.f32.s32 v58  }
0x20d: {  	[tilespmem:s10+$0xFFFFDFF0] =	vst v13;
	v13 =	vadd.f32 $1.000000000e+00, v17;
	v6 =	vmul.f32 $5.000000000e-01, v6;
	vm8 =	vgt.s32 v11, $0x0  }
0x20e: {  	[tilespmem:s9+$0xFFFFFFF0] =	vst v7;
	vm9 =	vgt.s32 v15, $0x0;
	v5 =	vadd.f32 $1.000000000e+00, v5;
	v11 =	vnsel vm8, $0x0, v11  }
0x20f: {  	s16 =	simm.s32 $0x0;
	[tilespmem:s18+$0xFFFFFFF0] =	vst v8;
	v7 =	vadd.f32 $1.000000000e+00, v14;
	v15 =	vnsel vm9, $0x0, v15;
	v11 =	vmin.u32 v11, $0x1FFE  }
0x210: {  	s11 =	sand.u32 $0xFC0, s16;
	[tilespmem:s18+$0x0] =	vst v4;
	v14 =	vmin.u32 v15, $0x1FFE;
	v5 =	vmul.f32 $5.000000000e-01, v5;
	v15 =	vcvt.s32.f32 v11  }
0x211: {  	[tilespmem:s11+$0x5000] =	vst v49;
	v17 =	vadd.f32 $1.000000000e+00, v56;
	v13 =	vmul.f32 $5.000000000e-01, v13;
	v8 =	vcvt.s32.f32 v14  }
0x212: {  	[tilespmem:s11+$0x6000] =	vst v51;
	v9 =	vmul.f32 $8.191000000e+03, v6;
	v5 =	vmul.f32 $8.191000000e+03, v5;
	v15 =	vsub.f32 v16, v15  }
0x213: {  	[tilespmem:s10+$0xFFFFE000] =	vst v12;
	v16 =	vmul.f32 $5.000000000e-01, v17;
	v17 =	vsub.f32 v19, v8;
	v8 =	vshll.u32 v14, $0xD  }
0x214: {  	[tilespmem:s11+$0x7000] =	vst v52;
	v14 =	vmul.f32 $5.000000000e-01, v7;
	v7 =	vmul.f32 $8.191000000e+03, v10;
	v10 =	vadd.s32 $0x2000, v12  }
0x215: {  	v12 =	vadd.s32 $0x2001, v12;
	v11 =	vor.u32 v11, v8;
	v8 =	vmul.f32 $8.191000000e+03, v13;
	[tilespmem:s10+$0x0] =	vst v10  }
0x216: {  	v59 =	vadd.s32 $0x2000, v18;
	s18 =	simm.s32 $0x2060;
	v10 =	vtrunc.f32 v5;
	[tilespmem:s10+$0x1000] =	vst v12;
	v6 =	vmul.f32 $8.191000000e+03, v16  }
0x217: {  	s8 =	simm.s32 $0x3060;
	v61 =	vadd.s32 $0x2001, v18;
	[tilespmem:s18+$0x10] =	vst v15;
	v4 =	vmul.f32 $8.191000000e+03, v14;
	v14 =	vtrunc.f32 v9  }
0x218: {  	s9 =	simm.s32 $0x6050;
	v13 =	vadd.s32 $0x2001, v11;
	v10 =	vcvt.f32.s32 v10;
	[tilespmem:s8+$0x10] =	vst v17;
	v15 =	vtrunc.f32 v8  }
0x219: {  	v16 =	vadd.s32 $0x1, v18;
	v12 =	vcvt.f32.s32 v14;
	[tilespmem:s9+$0x1020] =	vst v13;
	v13 =	vtrunc.f32 v7  }
0x21a: {  	[tilespmem:s10+$0xFFFFF000] =	vst v54;
	v62 =	vadd.s32 $0x2000, v11;
	v17 =	vtrunc.f32 v6;
	v60 =	vtrunc.f32 v4  }
0x21b: {  	[tilespmem:s10+$0xFFFFE010] =	vst v18;
	v14 =	vcvt.f32.s32 v15;
	v15 =	vadd.s32 $0x1, v11;
	v13 =	vcvt.f32.s32 v13  }
0x21c: {  	[tilespmem:s10+$0xFFFFF010] =	vst v16;
	v17 =	vcvt.f32.s32 v17;
	vm10 =	vgt.s32 v12, $0x0;
	v16 =	vcvt.f32.s32 v60  }
0x21d: {  	[tilespmem:s10+$0x10] =	vst v59;
	vm14 =	vgt.s32 v10, $0x0;
	vm11 =	vgt.s32 v14, $0x0;
	v12 =	vnsel vm10, $0x0, v12  }
0x21e: {  	[tilespmem:s10+$0x1010] =	vst v61;
	vm12 =	vgt.s32 v13, $0x0;
	vm13 =	vgt.s32 v17, $0x0;
	vm15 =	vgt.s32 v16, $0x0  }
0x21f: {  	[tilespmem:s9+$0xFFFFE020] =	vst v11;
	v63 =	vnsel vm11, $0x0, v14;
	v11 =	vmin.u32 v12, $0x1FFE;
	v14 =	vnsel vm14, $0x0, v10  }
0x220: {  	[tilespmem:s9+$0x20] =	vst v62;
	v13 =	vnsel vm12, $0x0, v13;
	v17 =	vnsel vm13, $0x0, v17;
	v12 =	vnsel vm15, $0x0, v16  }
0x221: {  	s12 =	simm.s32 $0xA0;
	s11 =	simm.s32 $0x4;
	s10 =	simm.s32 $0x6050;
	[tilespmem:s9+$0xFFFFF020] =	vst v15;
	v15 =	vmin.u32 v63, $0x1FFE;
	v10 =	vmin.u32 v13, $0x1FFE;
	v13 =	vmin.u32 v17, $0x1FFE  }
.LBB2_14:
0x222: {  	v16 =	vld [tilespmem:s12+$0x10];
	v17 =	vcvt.s32.f32 v11;
	v14 =	vmin.u32 v14, $0x1FFE;
	v12 =	vmin.u32 v12, $0x1FFE;
	s3 =	sadd.s32 $0x40, s3  }
0x223: {  	v19 =	vcvt.s32.f32 v15;
	v15 =	vshll.u32 v15, $0xD;
	v20 =	vcvt.s32.f32 v10;
	v18 =	vld [tilespmem:s3+$0x10]  }
0x224: {  	s11 =	sadd.s32 $0x4, s11;
	v22 =	vcvt.s32.f32 v13;
	v13 =	vshll.u32 v13, $0xD;
	v23 =	vcvt.s32.f32 v14;
	v21 =	vld [tilespmem:s3+$0xFFFFFFE0]  }
0x225: {  	p0 =	slt.u32 s11, $0xFC;
	v9 =	vsub.f32 v9, v17;
	v17 =	vcvt.s32.f32 v12;
	v12 =	vshll.u32 v12, $0xD;
	v24 =	vld [tilespmem:s12+$0xFFFFFFF0]  }
0x226: {  	v15 =	vor.u32 v11, v15;
	v8 =	vsub.f32 v8, v19;
	v7 =	vsub.f32 v7, v20;
	v25 =	vld [tilespmem:s3+$0xFFFFFFF0]  }
0x227: {  	v11 =	vor.u32 v10, v13;
	v6 =	vsub.f32 v6, v22;
	v19 =	vld [tilespmem:s12+$0x0];
	v16 =	vsub.f32 v16, v0;
	[tilespmem:s18+$0xFFFFFFE0] =	vst v9  }
0x228: {  	s16 =	sadd.s32 $0x40, s16;
	v5 =	vsub.f32 v5, v23;
	v10 =	vor.u32 v14, v12;
	v9 =	vld [tilespmem:s3+$0x0];
	v13 =	vsub.f32 v18, v1;
	[tilespmem:s8+$0xFFFFFFE0] =	vst v8  }
0x229: {  	s15 =	sand.u32 $0xFC0, s16;
	v8 =	vld [tilespmem:s12+$0xFFFFFFE0];
	v12 =	vsub.f32 v21, v1;
	v14 =	vadd.f32 v16, v16;
	[tilespmem:s9+$0xFFFFDFF0] =	vst v15;
	v16 =	vadd.s32 $0x1, v15  }
0x22a: {  	v18 =	vsub.f32 v24, v0;
	v13 =	vadd.f32 v13, v13;
	[tilespmem:s15+$0x5000] =	vst v16;
	v16 =	vadd.s32 $0x2000, v15  }
0x22b: {  	v12 =	vadd.f32 v12, v12;
	v20 =	vsub.f32 v25, v1;
	v14 =	vmul.f32 v14, v2;
	[tilespmem:s15+$0x6000] =	vst v16  }
0x22c: {  	v16 =	vadd.f32 v18, v18;
	v18 =	vsub.f32 v19, v0;
	v13 =	vmul.f32 v13, v3;
	[tilespmem:s18+$0xFFFFFFF0] =	vst v7  }
0x22d: {  	v7 =	vmul.f32 v12, v3;
	v9 =	vsub.f32 v9, v1;
	v12 =	vadd.f32 $-1.000000000e+00, v14;
	[tilespmem:s8+$0xFFFFFFF0] =	vst v6  }
0x22e: {  	v6 =	vsub.f32 v8, v0;
	v8 =	vmul.f32 v16, v2;
	v13 =	vadd.f32 $-1.000000000e+00, v13;
	[tilespmem:s9+$0xFFFFE000] =	vst v11  }
0x22f: {  	v15 =	vadd.s32 $0x2001, v15;
	v14 =	vadd.f32 v20, v20;
	v12 =	vadd.f32 $1.000000000e+00, v12;
	[tilespmem:s18+$0x0] =	vst v5  }
0x230: {  	v5 =	vadd.f32 v6, v6;
	v6 =	vadd.f32 $1.000000000e+00, v13;
	[tilespmem:s15+$0x7000] =	vst v15;
	v13 =	vadd.s32 $0x1, v11  }
0x231: {  	v9 =	vadd.f32 v9, v9;
	v15 =	vadd.f32 v18, v18;
	v12 =	vmul.f32 $5.000000000e-01, v12;
	[tilespmem:s9+$0xFFFFF000] =	vst v13  }
0x232: {  	v7 =	vadd.f32 $-1.000000000e+00, v7;
	v5 =	vmul.f32 v5, v2;
	v6 =	vmul.f32 $5.000000000e-01, v6  }
0x233: {  	v8 =	vadd.f32 $-1.000000000e+00, v8;
	v13 =	vmul.f32 v14, v3;
	v12 =	vmul.f32 $8.191000000e+03, v12  }
0x234: {  	v14 =	vmul.f32 v15, v2;
	v5 =	vadd.f32 $-1.000000000e+00, v5;
	v6 =	vmul.f32 $8.191000000e+03, v6  }
0x235: {  	v9 =	vmul.f32 v9, v3;
	v13 =	vadd.f32 $-1.000000000e+00, v13;
	v15 =	vtrunc.f32 v12  }
0x236: {  	v14 =	vadd.f32 $-1.000000000e+00, v14;
	v15 =	vcvt.f32.s32 v15;
	v16 =	vtrunc.f32 v6  }
0x237: {  	v9 =	vadd.f32 $-1.000000000e+00, v9;
	v5 =	vadd.f32 $1.000000000e+00, v5;
	v16 =	vcvt.f32.s32 v16  }
0x238: {  	v7 =	vadd.f32 $1.000000000e+00, v7;
	v8 =	vadd.f32 $1.000000000e+00, v8;
	vm0 =	vgt.s32 v15, $0x0  }
0x239: {  	v13 =	vadd.f32 $1.000000000e+00, v13;
	v15 =	vnsel vm0, $0x0, v15;
	vm0 =	vgt.s32 v16, $0x0  }
0x23a: {  	v14 =	vadd.f32 $1.000000000e+00, v14;
	v15 =	vmin.u32 v15, $0x1FFE;
	v16 =	vnsel vm0, $0x0, v16  }
0x23b: {  	v9 =	vadd.f32 $1.000000000e+00, v9;
	v16 =	vmin.u32 v16, $0x1FFE;
	v18 =	vcvt.s32.f32 v15  }
0x23c: {  	v4 =	vsub.f32 v4, v17;
	v5 =	vmul.f32 $5.000000000e-01, v5;
	v19 =	vcvt.s32.f32 v16  }
0x23d: {  	v7 =	vmul.f32 $5.000000000e-01, v7;
	v17 =	vmul.f32 $5.000000000e-01, v8;
	v8 =	vsub.f32 v12, v18  }
0x23e: {  	s18 =	sadd.s32 $0x40, s18;
	v12 =	vmul.f32 $5.000000000e-01, v13;
	v13 =	vshll.u32 v16, $0xD;
	v6 =	vsub.f32 v6, v19;
	[tilespmem:s8+$0x0] =	vst v4  }
0x23f: {  	v4 =	vmul.f32 $5.000000000e-01, v14;
	v14 =	vmul.f32 $5.000000000e-01, v9;
	v13 =	vor.u32 v15, v13;
	s8 =	sadd.s32 $0x40, s8;
	[tilespmem:s18+$0x10] =	vst v8  }
0x240: {  	s9 =	sadd.s32 $0x40, s9;
	v9 =	vmul.f32 $8.191000000e+03, v5;
	v8 =	vmul.f32 $8.191000000e+03, v7;
	v5 =	vadd.s32 $0x2001, v13;
	[tilespmem:s8+$0x10] =	vst v6  }
0x241: {  	v7 =	vmul.f32 $8.191000000e+03, v17;
	v6 =	vmul.f32 $8.191000000e+03, v12;
	v12 =	vadd.s32 $0x2000, v11;
	[tilespmem:s9+$0x1020] =	vst v5  }
0x242: {  	v11 =	vadd.s32 $0x2001, v11;
	v5 =	vmul.f32 $8.191000000e+03, v4;
	v4 =	vmul.f32 $8.191000000e+03, v14;
	[tilespmem:s10+$0x0] =	vst v12  }
0x243: {  	v14 =	vtrunc.f32 v8;
	v12 =	vtrunc.f32 v9;
	[tilespmem:s10+$0x1000] =	vst v11;
	v11 =	vadd.s32 $0x1, v10  }
0x244: {  	v17 =	vadd.s32 $0x2000, v10;
	v15 =	vtrunc.f32 v7;
	v16 =	vtrunc.f32 v6;
	[tilespmem:s10+$0xFFFFE010] =	vst v10  }
0x245: {  	v18 =	vtrunc.f32 v5;
	v19 =	vtrunc.f32 v4;
	v10 =	vadd.s32 $0x2001, v10;
	[tilespmem:s10+$0xFFFFF010] =	vst v11  }
0x246: {  	v11 =	vcvt.f32.s32 v12;
	v12 =	vcvt.f32.s32 v14;
	v14 =	vadd.s32 $0x1, v13;
	[tilespmem:s10+$0x10] =	vst v17  }
0x247: {  	v15 =	vcvt.f32.s32 v15;
	v16 =	vcvt.f32.s32 v16;
	v17 =	vadd.s32 $0x2000, v13;
	[tilespmem:s10+$0x1010] =	vst v10;
	s10 =	smov.u32 s9  }
0x248: {  	vm0 =	vgt.s32 v11, $0x0;
	v10 =	vcvt.f32.s32 v18;
	v18 =	vcvt.f32.s32 v19;
	[tilespmem:s9+$0xFFFFE020] =	vst v13  }
.Ltmp6:
0x249: {  	vm2 =	vgt.s32 v15, $0x0;
	vm3 =	vgt.s32 v16, $0x0;
	vm1 =	vgt.s32 v12, $0x0;
	[tilespmem:s9+$0xFFFFF020] =	vst v14;
	(pc) =	sbr.rel @p0 .LBB2_14-.Ltmp6, $4  }
0x24a: {  	v11 =	vnsel vm0, $0x0, v11;
	vm0 =	vgt.s32 v10, $0x0;
	vm4 =	vgt.s32 v18, $0x0;
	[tilespmem:s9+$0x20] =	vst v17  }
0x24b: {  	v16 =	vnsel vm3, $0x0, v16;
	v13 =	vnsel vm1, $0x0, v12;
	v17 =	vnsel vm2, $0x0, v15  }
0x24c: {  	v11 =	vmin.u32 v11, $0x1FFE;
	v14 =	vnsel vm0, $0x0, v10;
	v12 =	vnsel vm4, $0x0, v18  }
0x24d: {  	s12 =	sadd.s32 $0x40, s12;
	v15 =	vmin.u32 v13, $0x1FFE;
	v13 =	vmin.u32 v16, $0x1FFE;
	v10 =	vmin.u32 v17, $0x1FFE  }
0x24e: {  	v16 =	vcvt.s32.f32 v11  }
0x24f: {  	v54 =	vcvt.s32.f32 v10  }
0x250: {  	v17 =	vcvt.s32.f32 v15;
	v9 =	vsub.f32 v9, v16  }
0x251: {  	v56 =	vcvt.s32.f32 v13;
	v14 =	vmin.u32 v14, $0x1FFE;
	v7 =	vsub.f32 v7, v54  }
0x252: {  	v58 =	vcvt.s32.f32 v14;
	v8 =	vsub.f32 v8, v17;
	[tilespmem:s18+$0xFFFFFFE0] =	vst v9  }
0x253: {  	v6 =	vsub.f32 v6, v56;
	[tilespmem:s18+$0xFFFFFFF0] =	vst v7  }
0x254: {  	v60 =	vmin.u32 v12, $0x1FFE;
	v5 =	vsub.f32 v5, v58;
	[tilespmem:s8+$0xFFFFFFE0] =	vst v8  }
0x255: {  	v53 =	vshll.u32 v15, $0xD;
	v61 =	vcvt.s32.f32 v60;
	[tilespmem:s8+$0xFFFFFFF0] =	vst v6  }
0x256: {  	v59 =	vshll.u32 v13, $0xD;
	v55 =	vor.u32 v11, v53;
	[tilespmem:s18+$0x0] =	vst v5  }
0x257: {  	v4 =	vsub.f32 v4, v61;
	v8 =	vor.u32 v10, v59;
	[tilespmem:s9+$0xFFFFDFF0] =	vst v55  }
0x258: {  	s3 =	sadd.s32 $0x40, s16;
	[tilespmem:s9+$0xFFFFE000] =	vst v8  }
0x259: {  	s3 =	sand.u32 $0xFC0, s3;
	v15 =	vadd.s32 $0x1, v55;
	[tilespmem:s8+$0x0] =	vst v4  }
0x25a: {  	v57 =	vadd.s32 $0x2000, v55;
	[tilespmem:s3+$0x5000] =	vst v15  }
0x25b: {  	v62 =	vadd.s32 $0x2001, v55;
	[tilespmem:s3+$0x6000] =	vst v57  }
0x25c: {  	v5 =	vadd.s32 $0x1, v8;
	[tilespmem:s3+$0x7000] =	vst v62  }
0x25d: {  	v4 =	vadd.s32 $0x2000, v8;
	[tilespmem:s9+$0xFFFFF000] =	vst v5  }
0x25e: {  	v5 =	vshll.u32 v60, $0xD;
	[tilespmem:s10+$0x0] =	vst v4;
	v4 =	vadd.s32 $0x2001, v8  }
0x25f: {  	v5 =	vor.u32 v14, v5;
	[tilespmem:s10+$0x1000] =	vst v4  }
0x260: {  	v4 =	vadd.s32 $0x1, v5;
	[tilespmem:s10+$0xFFFFE010] =	vst v5  }
0x261: {  	v63 =	vadd.s32 $0x2000, v5;
	[tilespmem:s10+$0xFFFFF010] =	vst v4  }
0x262: {  	v4 =	vadd.s32 $0x2001, v5;
	[tilespmem:s10+$0x10] =	vst v63  }
0x263: {  	s8 =	simm.s32 $0x8000;
	s3 =	simm.s32 $0x200;
	s9 =	simm.s32 $0x4000;
	[tilespmem:s10+$0x1010] =	vst v4  }
.LBB2_16:
0x264: {  	[tilespmem:s8], [sflag:$0x1] =	stream.indirect.gather [hbm4b:s6+s22], $0x1, s9, s22, $0xb8;
	[tilespmem:$0x1A080] =	vst v63  }
0x265: {  	s8 =	smov.u32 s3;
	p0 =	sne.s32 s3, $0xFE00  }
.Ltmp7:
0x266: {  	s3 =	sadd.s32 $0x200, s3;
	(pc) =	sbr.rel @p0 .LBB2_16-.Ltmp7, $3  }
0x267: {  	_ =	sdelay $0x1  }
0x268: {  	s9 =	sshra.s32 s8, $0x2  }
0x269: {  	s8 =	sadd.s32 $0x8000, s9;
	s9 =	sadd.s32 $0x4000, s9  }
0x26a: {  	[tilespmem:s8], [sflag:$0x1] =	stream.indirect.gather [hbm4b:s6+s22], $0x1, s9, s22, $0xb8;
	[tilespmem:$0x1A080] =	vst v63  }
0x26b: {  	s3 =	sadd.s32 s31, s14  }
0x26c: {  	s3 =	sshrl.u32 s3, $0x3  }
0x26d: {  	s31 =	sadd.s32 s4, s3  }
0x26e: {  	[tilespmem:s19], [sflag:$0x4] =	stream.linear.gather [hbm4b:s31+s2], $0x1000, $0x38;
	[tilespmem:$0x1A080] =	vst v63  }
0x26f: {  	s3 =	sadd.s32 s5, s3  }
0x270: {  	[tilespmem:s20], [sflag:$0x4] =	stream.linear.gather [hbm4b:s3+s2], $0x1000, $0x38;
	[tilespmem:$0x1A080] =	vst v63  }
.LBB2_18:
0x271: {  	_ =	swait.ge [sflag:s26], $0x4000  }
0x272: {  	s3 =	simm.s32 $0x0;
	[sflag:s26] =	ssyncset.done $0x0  }
0x273: {  	s8 =	sand.u32 $0xFC0, s3;
	[sflag:s26] =	ssyncadd.s32 $0xFFFFC000  }
0x274: {  	v7 =	vld [tilespmem:s8+$0x18000]  }
0x275: {  	v6 =	vld [tilespmem:s8+$0x17000]  }
0x276: {  	s3 =	simm.s32 $0x17010;
	v8 =	vld [tilespmem:s8+$0x16000]  }
0x277: {  	v9 =	vld [tilespmem:s3+$0xFFFFE020]  }
0x278: {  	s8 =	simm.s32 $0x10020;
	v11 =	vld [tilespmem:s3+$0xFFFFF020]  }
0x279: {  	s9 =	simm.s32 $0xF020;
	v10 =	vld [tilespmem:s8+$0x10]  }
0x27a: {  	v13 =	vld [tilespmem:s9+$0x10]  }
0x27b: {  	v12 =	vld [tilespmem:s3+$0x20]  }
0x27c: {  	v16 =	vld [tilespmem:s3+$0x1020]  }
0x27d: {  	v5 =	vld [tilespmem:s8+$0xFFFFFFF0]  }
0x27e: {  	v14 =	vld [tilespmem:s8+$0xFFFFFFE0];
	v15 =	vsub.f32 $1.000000000e+00, v10  }
0x27f: {  	v19 =	vld [tilespmem:s3+$0xFFFFE000]  }
0x280: {  	v4 =	vld [tilespmem:s8+$0x0];
	v17 =	vsub.f32 $1.000000000e+00, v13;
	v18 =	vmul.f32 v15, v9;
	v11 =	vmul.f32 v15, v11  }
0x281: {  	v20 =	vld [tilespmem:s3+$0xFFFFF000];
	v12 =	vmul.f32 v10, v12  }
0x282: {  	v22 =	vsub.f32 $1.000000000e+00, v5;
	v15 =	vld [tilespmem:s9+$0xFFFFFFE0];
	v18 =	vmul.f32 v18, v17;
	v11 =	vmul.f32 v11, v13  }
0x283: {  	v21 =	vmul.f32 v14, v6;
	v6 =	vld [tilespmem:s9+$0xFFFFFFF0];
	v10 =	vmul.f32 v10, v16;
	v9 =	vsub.f32 $1.000000000e+00, v14  }
0x284: {  	v16 =	vmul.f32 v12, v17;
	v24 =	vmul.f32 v22, v19;
	v17 =	vld [tilespmem:s3+$0xFFFFE010];
	v11 =	vadd.f32 v11, v18  }
0x285: {  	v23 =	vld [tilespmem:s3+$0xFFFFF010];
	v25 =	vsub.f32 $1.000000000e+00, v4;
	v8 =	vmul.f32 v9, v8;
	v18 =	vmul.f32 v14, v7  }
0x286: {  	v19 =	vmul.f32 v22, v20;
	v13 =	vmul.f32 v10, v13;
	v7 =	vld [tilespmem:s9+$0x0];
	v16 =	vadd.f32 v11, v16  }
0x287: {  	v14 =	vld [tilespmem:s3+$0xFFFFDFF0];
	v12 =	vsub.f32 $1.000000000e+00, v15;
	v11 =	vmul.f32 v8, v15;
	v8 =	vmul.f32 v18, v15  }
0x288: {  	v15 =	vld [tilespmem:s3+$0x0];
	v18 =	vmul.f32 v19, v6;
	v20 =	vadd.f32 v16, v13;
	v13 =	vsub.f32 $1.000000000e+00, v6  }
0x289: {  	s10 =	simm.s32 $0x19020;
	v10 =	vmul.f32 v21, v12;
	v19 =	vmul.f32 v25, v17;
	v16 =	vld [tilespmem:s3+$0x10]  }
0x28a: {  	s11 =	simm.s32 $0x0;
	s12 =	simm.s32 $0x40;
	v17 =	vld [tilespmem:s3+$0x1000];
	v21 =	vmul.f32 v25, v23;
	[tilespmem:s10+$0x10] =	vst v20;
	v20 =	vmul.f32 v24, v13  }
.LBB2_19:
0x28b: {  	s15 =	sand.u32 $0xFC0, s12;
	v22 =	vld [tilespmem:s3+$0x1010];
	v23 =	vsub.f32 $1.000000000e+00, v7  }
0x28c: {  	v24 =	vld [tilespmem:s15+$0x18000];
	v9 =	vmul.f32 v9, v14;
	v14 =	vadd.f32 v18, v20;
	v18 =	vmul.f32 v21, v7  }
0x28d: {  	v20 =	vld [tilespmem:s15+$0x17000];
	v15 =	vmul.f32 v5, v15;
	v19 =	vmul.f32 v19, v23  }
0x28e: {  	s3 =	sadd.s32 $0x40, s3;
	v21 =	vld [tilespmem:s15+$0x16000];
	v9 =	vmul.f32 v9, v12;
	v12 =	vmul.f32 v4, v16  }
0x28f: {  	s8 =	sadd.s32 $0x40, s8;
	v16 =	vld [tilespmem:s3+$0xFFFFE020];
	v13 =	vmul.f32 v15, v13;
	v5 =	vmul.f32 v5, v17;
	v15 =	vadd.f32 v18, v19  }
0x290: {  	s11 =	sadd.s32 $0x4, s11;
	v17 =	vld [tilespmem:s8+$0x10];
	v9 =	vadd.f32 v11, v9;
	v11 =	vmul.f32 v12, v23;
	v4 =	vmul.f32 v4, v22  }
0x291: {  	s9 =	sadd.s32 $0x40, s9;
	p0 =	slt.u32 s11, $0xFC;
	v12 =	vld [tilespmem:s3+$0xFFFFF020];
	v13 =	vadd.f32 v14, v13;
	v5 =	vmul.f32 v5, v6  }
0x292: {  	v14 =	vld [tilespmem:s9+$0x10];
	v6 =	vadd.f32 v9, v10;
	v9 =	vadd.f32 v15, v11;
	v4 =	vmul.f32 v4, v7  }
0x293: {  	v7 =	vld [tilespmem:s3+$0x20];
	v10 =	vadd.f32 v13, v5  }
0x294: {  	v11 =	vld [tilespmem:s8+$0xFFFFFFE0];
	v6 =	vadd.f32 v6, v8;
	v8 =	vadd.f32 v9, v4  }
0x295: {  	v5 =	vld [tilespmem:s8+$0xFFFFFFF0];
	v9 =	vsub.f32 $1.000000000e+00, v17;
	[tilespmem:s10+$0xFFFFFFF0] =	vst v10  }
0x296: {  	v10 =	vld [tilespmem:s3+$0x1020];
	[tilespmem:s10+$0xFFFFFFE0] =	vst v6  }
0x297: {  	v4 =	vld [tilespmem:s8+$0x0];
	v13 =	vsub.f32 $1.000000000e+00, v14;
	v6 =	vmul.f32 v9, v16;
	v12 =	vmul.f32 v9, v12;
	[tilespmem:s10+$0x0] =	vst v8  }
0x298: {  	v8 =	vld [tilespmem:s9+$0xFFFFFFE0];
	v7 =	vmul.f32 v17, v7  }
0x299: {  	v9 =	vsub.f32 $1.000000000e+00, v11;
	v15 =	vld [tilespmem:s3+$0xFFFFE000];
	v16 =	vmul.f32 v6, v13;
	v12 =	vmul.f32 v12, v14  }
0x29a: {  	v18 =	vmul.f32 v11, v20;
	v19 =	vmul.f32 v11, v24;
	v20 =	vld [tilespmem:s3+$0xFFFFF000];
	v22 =	vsub.f32 $1.000000000e+00, v5  }
0x29b: {  	v7 =	vmul.f32 v7, v13;
	v6 =	vld [tilespmem:s9+$0xFFFFFFF0];
	v11 =	vadd.f32 v12, v16;
	v10 =	vmul.f32 v17, v10  }
0x29c: {  	v13 =	vmul.f32 v9, v21;
	v17 =	vld [tilespmem:s3+$0xFFFFE010];
	v21 =	vsub.f32 $1.000000000e+00, v4  }
0x29d: {  	v12 =	vsub.f32 $1.000000000e+00, v8;
	v23 =	vld [tilespmem:s3+$0xFFFFF010];
	v16 =	vadd.f32 v11, v7;
	v24 =	vmul.f32 v10, v14  }
.Ltmp8:
0x29e: {  	v11 =	vmul.f32 v13, v8;
	v25 =	vmul.f32 v22, v15;
	v7 =	vld [tilespmem:s9+$0x0];
	(pc) =	sbr.rel @p0 .LBB2_19-.Ltmp8, $4  }
0x29f: {  	v14 =	vld [tilespmem:s3+$0xFFFFDFF0];
	v10 =	vmul.f32 v18, v12;
	v18 =	vmul.f32 v22, v20;
	v20 =	vadd.f32 v16, v24  }
0x2a0: {  	s10 =	sadd.s32 $0x40, s10;
	v8 =	vmul.f32 v19, v8;
	v15 =	vld [tilespmem:s3+$0x0];
	v13 =	vsub.f32 $1.000000000e+00, v6  }
0x2a1: {  	v18 =	vmul.f32 v18, v6;
	v16 =	vld [tilespmem:s3+$0x10];
	v19 =	vmul.f32 v21, v17;
	[tilespmem:s10+$0x10] =	vst v20  }
0x2a2: {  	s12 =	sadd.s32 $0x40, s12;
	v17 =	vld [tilespmem:s3+$0x1000];
	v20 =	vmul.f32 v25, v13;
	v21 =	vmul.f32 v21, v23  }
0x2a3: {  	v22 =	vsub.f32 $1.000000000e+00, v7  }
0x2a4: {  	v23 =	vld [tilespmem:s3+$0x1010];
	v9 =	vmul.f32 v9, v14;
	v57 =	vmul.f32 v21, v7  }
0x2a5: {  	v15 =	vmul.f32 v5, v15;
	v19 =	vmul.f32 v19, v22  }
0x2a6: {  	v9 =	vmul.f32 v9, v12;
	v58 =	vmul.f32 v4, v16  }
0x2a7: {  	v59 =	vadd.f32 v18, v20;
	v13 =	vmul.f32 v15, v13;
	v5 =	vmul.f32 v5, v17  }
0x2a8: {  	v14 =	vadd.f32 v57, v19;
	v9 =	vadd.f32 v11, v9;
	v60 =	vmul.f32 v58, v22  }
0x2a9: {  	v4 =	vmul.f32 v4, v23;
	v61 =	vadd.f32 v59, v13;
	v5 =	vmul.f32 v5, v6  }
0x2aa: {  	v62 =	vadd.f32 v9, v10  }
0x2ab: {  	v63 =	vadd.f32 v14, v60;
	v4 =	vmul.f32 v4, v7;
	v5 =	vadd.f32 v61, v5  }
0x2ac: {  	v6 =	vadd.f32 v62, v8  }
0x2ad: {  	s30 =	sadd.s32 $0x1, s30;
	v4 =	vadd.f32 v63, v4;
	[tilespmem:s10+$0xFFFFFFF0] =	vst v5  }
0x2ae: {  	s0 =	sadd.s32 s0, s1;
	p0 =	sne.s32 s30, $0x8;
	[tilespmem:s10+$0xFFFFFFE0] =	vst v6  }
.Ltmp9:
0x2af: {  	s0 =	sadd.s32 $0x200, s0;
	[tilespmem:s10+$0x0] =	vst v4;
	(pc) =	sbr.rel @p0 .LBB2_6-.Ltmp9, $4  }
0x2b0: {  	[hbm4b:s0+s2] =	stream.linear.scatter [tilespmem:s28], [sflag:$0x5], $0x1000, $0x38;
	[tilespmem:$0x1A080] =	vst v63  }
0x2b1: {  	_ =	swait.ge [sflag:s17], $0x1000  }
0x2b2: {  	[sflag:s17] =	ssyncset.done $0x0  }
0x2b3: {  	[sflag:s17] =	ssyncadd.s32 $0xFFFFF000  }
0x2b4: {  	s29 =	sadd.s32 $0x1, s29;
	s0 =	rddreg [dreg:$0x8]  }
0x2b5: {  	p0 =	sne.s32 s29, s0  }
.Ltmp10:
0x2b6: {  	_ = 	snop;
	(pc) =	sbr.rel @p0 .LBB2_1-.Ltmp10, $1  }
0x2b7: {  	_ =	sdelay $0x3  }
0x2b8: {  	_ =	sfence.sel $0x180000  }
0x2b9: {  	[bflag:$0x0] =	sbarrier.arrive $0xFFFF  }
0x2ba: {  	_ =	strace $0x9000004A  }
0x2bb: {  	s0 =	stileid.u32;
	[bflag:$0x2] =	sbarrier.arrive $0xFFFF  }
0x2bc: {  	p0 =	sne.s32 s0, $0x0;
	s0 =	rddreg [dreg:$0x2]  }
0x2bd: {  	s0 =	sadd.s32 @!p0 $0x100000, s0  }
0x2be: {  	[sflag:s0] =	ssyncadd.tile.s32 @!p0 $0x1;
	_ =	shalt  }
.Lfunc_end2:
_tile_overlayer_lowered:
.L_overlay_start_2:
0x2bf: {  	(tag) =	ssettag $0x2  }
0x2c0: {  	s0 =	rddreg [dreg:$0x0];
	s2 =	stileid.u32  }
0x2c1: {  	s1 =	rddreg [dreg:$0x1];
	p0 =	sne.s32 s2, $0x0  }
0x2c2: {  	s3 =	rddreg [dreg:$0x2];
	[bflag:$0x3] =	sbarrier.arrive $0xFFFF;
	s2 =	simm.s32 @!p0 $0x1C05  }
0x2c3: {  	[timem:s3], [sflag:s2] =	dma.local @!p0 [hbm:s0], s1  }
0x2c4: {  	s0 =	simm.s32 @!p0 $0x5  }
0x2c5: {  	_ =	swait.ge @!p0 [sflag:s0], s1  }
0x2c6: {  	s1 =	ssub.s32 @!p0 $0x0, s1;
	[sflag:s0] =	ssyncset.done @!p0 $0x0  }
0x2c7: {  	[sflag:s0] =	ssyncadd.s32 @!p0 s1  }
0x2c8: {  	[bflag:$0x3] =	sbarrier.arrive $0xFFFF  }
0x2c9: {  	_ =	shalt  }

// kernel: sparse-core-data-format-call.cloned.1.call-start
scs
called_computation_lowered:
.L_overlay_start_0:
0x0: {  	s2 =	sld [smem:$0x3FD9]  }
0x1: {  	s3 =	sld [smem:$0x3FFE];
	_ =	sdelay $0x1  }
0x2: {  	s1 =	srdreg.scid  }
0x3: {  	s0 =	sand.u32 $0x1, s1  }
0x4: {  	s18 =	sshll.u32 s0, $0xA;
	s2 =	sadd.s32 s3, s2  }
0x5: {  	s2 =	sadd.s32 s2, s18  }
0x6: {  	[smem:$0x3FC4] =	sst s2  }
0x7: {  	_ = 	snop  }
0x8: {  	s2 =	sld [smem:$0x3FC8];
	(tm) =	ssettm $0x1  }
0x9: {  	s19 =	sld [smem:$0x3FFB];
	_ =	sdelay $0x3  }
0xa: {  	_ =	strace s19  }
0xb: {  	s3 =	sld [smem:$0x3FFC];
	_ =	sdelay $0x3  }
0xc: {  	_ =	strace s3  }
0xd: {  	s3 =	sld [smem:$0x3FFD];
	_ =	sdelay $0x3  }
0xe: {  	_ =	strace s3  }
0xf: {  	_ =	strace $0x8FFFFFFF  }
0x10: {  	s20 =	sld [smem:$0x3FDB];
	_ =	sdelay $0x1  }
0x11: {  	s4 =	simm.s32 $_scs_section_size  }
0x12: {  	s5 =	simm.s32 $_size__tile_overlayer_lowered;
	s6 =	simm.s32 $_tile_overlayer_lowered  }
0x13: {  	s23 =	simm.s32 $0x1BFF;
	s22 =	sshll.u32 s6, $0x1;
	s3 =	sadd.s32 s4, s20  }
0x14: {  	s7 =	simm.s32 $0x0;
	s21 =	sshll.u32 s5, $0x1;
	s5 =	sadd.s32 s22, s3  }
0x15: {  	[timem:s7], [sflag:s23] =	dma.local [hbm:s5], s21  }
0x16: {  	_ =	swait.ge [sflag:s23], s21  }
0x17: {  	s4 =	ssub.s32 $0x0, s21;
	[sflag:s23] =	ssyncset.done $0x0  }
0x18: {  	[sflag:s23] =	ssyncadd.s32 s4;
	_ =	sdelay $0x1  }
0x19: {  	s24 =	simm.s32 $0x1B8B  }
0x1a: {  	_ =	swait.ge [sflag:s24], $0x1  }
0x1b: {  	[sflag:s24] =	ssyncset.done $0x0  }
0x1c: {  	s26 =	simm.s32 $0x1B8E;
	s25 =	sld [smem:$0x3FFE];
	[sflag:s24] =	ssyncadd.s32 $0xFFFFFFFF  }
0x1d: {  	s27 =	simm.s32 $execute0_lowered;
	[smem:$0x3FD2] =	sst s26  }
0x1e: {  	s5 =	sshll.u32 s27, $0x1;
	_ =	strace $0x80000046;
	[dreg:$0x1] =	wrdreg $0xFFFFFFFF  }
0x1f: {  	s28 =	simm.s32 $_size_execute0_lowered;
	s3 =	sadd.s32 s3, s5;
	[dreg:$0x0] =	wrdreg $0x0  }
0x20: {  	s5 =	sshll.u32 s28, $0x1;
	[dreg:$0x2] =	wrdreg s3  }
0x21: {  	[dreg:$0x3] =	wrdreg s5  }
0x22: {  	[dreg:$0x4] =	wrdreg $0xC0  }
0x23: {  	_ =	task [dreg:s7], $0x5FFFF  }
0x24: {  	[dreg:$0x1] =	wrdreg $0xFFFFFFFF  }
0x25: {  	[dreg:$0x0] =	wrdreg $0x60  }
0x26: {  	[dreg:$0x2] =	wrdreg s2  }
0x27: {  	[dreg:$0x3] =	wrdreg s25  }
0x28: {  	[dreg:$0x4] =	wrdreg $0x9  }
0x29: {  	_ =	task.clear_ibuf [dreg:s7], $0x5FFFF;
	_ =	strace $0x90000046  }
0x2a: {  	s29 =	simm.s32 $0x9;
	_ =	strace $0x80000048  }
0x2b: {  	_ =	swait.ge [sflag:s29], $0x1  }
0x2c: {  	[sflag:s29] =	ssyncadd.s32 $0xFFFFFFFF  }
0x2d: {  	_ =	strace $0x90000048  }
0x2e: {  	_ =	sfence  }
0x2f: {  	s30 =	sld [smem:$0x0];
	_ =	sdelay $0x2  }
0x30: {  	s31 =	sshll.u32 s1, $0xD;
	s1 =	sshrl.u32 s1, $0x2  }
0x31: {  	s3 =	sand.u32 $0x4000, s31;
	s1 =	sadd.s32 s1, s30  }
0x32: {  	s0 =	sor.u32 s3, s0;
	s1 =	sshll.u32 s1, $0x11  }
0x33: {  	s0 =	sor.u32 s1, s0  }
0x34: {  	s0 =	sadd.s32 $0x8F2B, s0  }
0x35: {  	[sflag:s0] =	ssyncadd.remote.s32 $0x1  }
0x36: {  	_ =	sfence.sel $0xFFFF  }
0x37: {  	[dreg:$0x0] =	wrdreg $0xFFFFFFFF;
	(pc) =	sbr.abs _section_cstart, $3  }
0x38: {  	[dreg:$0x1] =	wrdreg $0xFFFFFFFF  }
0x39: {  	_ =	task.clear_ibuf [dreg:s7], $0x2FFFF;
	_ =	strace $0x9FFFFFFF  }
0x3a: {  	(tm) =	ssettm $0x7FFFFFFF  }
0x3b: {  	_ =	shalt  }
tec
execute0_lowered:
.L_overlay_start_1:
0x0: {  	(tag) =	ssettag $0x1  }
0x1: {  	s2 =	rddreg [dreg:$0x0]  }
0x2: {  	s1 =	rddreg [dreg:$0x1]  }
0x3: {  	s0 =	rddreg [dreg:$0x2];
	_ =	strace $0x80000047;
	s4 =	srdreg.scid  }
0x4: {  	s6 =	simm.s32 $0x2;
	s11 =	simm.s32 $0x0;
	p0 =	por $0x0, $0x0  }
.Ltmp0:
0x5: {  	s7 =	simm.s32 $0x2000;
	s12 =	simm.s32 $0x0;
	(pc) =	sbr.rel .LBB1_1-.Ltmp0, $4  }
0x6: {  	s9 =	simm.s32 $0x0;
	s3 =	sadd.s32 $0x1200, s1;
	s5 =	sshll.u32 s4, $0x4  }
0x7: {  	s1 =	stileid.u32;
	s4 =	simm.s32 $0x1;
	s5 =	sand.u32 $0x10, s5  }
0x8: {  	s8 =	simm.s32 $0x0;
	[sflag:s4] =	ssyncpa.u1 $0x0;
	s5 =	sor.u32 s1, s5  }
0x9: {  	[sflag:s6] =	ssyncpa.u1 $0x0;
	s6 =	simm.s32 $0x800;
	s10 =	smov.u32 s5  }
.LBB1_7:
0xa: {  	s13 =	sadd.s32 $0x10, s9  }
0xb: {  	s11 =	sadd.s32 $0x20, s10;
	s15 =	smov.u32 s10;
	p2 =	sgt.s32 s13, $0x3F  }
0xc: {  	p1 =	slt.u32 s8, $0x2;
	s15 =	smov.u32 @p2 s11  }
0xd: {  	s8 =	sadd.s32 $0x1, s8;
	s13 =	simm.s32 @p2 $0x0;
	p2 =	sgt.s32 s15, $0x3FF  }
0xe: {  	s15 =	smov.u32 @p2 s5;
	p2 =	sne.s32 s8, $0x82  }
.Ltmp1:
0xf: {  	_ = 	snop;
	(pc) =	sbr.rel @!p2 .LBB1_8-.Ltmp1, $4  }
0x10: {  	s14 =	simm.s32 @!p1 $0x2  }
0x11: {  	s12 =	smov.u32 s10;
	_ =	swait.ge @!p1 [sflag:s14], $0x4000  }
0x12: {  	p0 =	por !p0, !p0;
	s11 =	smov.u32 s9;
	[sflag:s14] =	ssyncset.done @!p1 $0x0  }
0x13: {  	s9 =	smov.u32 s13;
	[sflag:s14] =	ssyncadd.s32 @!p1 $0xFFFFC000;
	s10 =	smov.u32 s15  }
.LBB1_1:
0x14: {  	p1 =	sgt.u32 s8, $0x7F  }
0x15: {  	s13 =	sxor.u32 @!p1 $0xFFFFFFFF, s8;
	s14 =	sshll.u32 @!p1 s10, $0xD  }
0x16: {  	s15 =	sshll.u32 @!p1 s9, $0x7;
	s13 =	sshll.u32 @!p1 s13, $0xE;
	s14 =	sadd.s32 @!p1 s2, s14  }
0x17: {  	s13 =	sand.u32 @!p1 $0x4000, s13;
	s14 =	sadd.s32 @!p1 s15, s14;
	s15 =	simm.s32 @!p1 $0x0  }
0x18: {  	[tilespmem:s13], [sflag:$0x1] =	stream.linear.gather @!p1 [hbm4b:s14+s15], $0x4000, $0x38;
	[tilespmem:$0x10000] =	vst v63  }
0x19: {  	p1 =	seq.s32 s8, $0x0  }
0x1a: {  	p2 =	seq.s32 @!p1 s8, $0x81  }
0x1b: {  	p1 =	por p1, p2  }
.Ltmp2:
0x1c: {  	_ = 	snop;
	(pc) =	sbr.rel @p1 .LBB1_7-.Ltmp2, $1  }
0x1d: {  	_ =	sdelay $0x3  }
0x1e: {  	s13 =	simm.s32 $0x1;
	_ =	swait.ge [sflag:s4], $0x4000;
	s16 =	sshll.u32 s8, $0xE  }
0x1f: {  	s13 =	simm.s32 @!p0 $0x0;
	[sflag:s4] =	ssyncset.done $0x0;
	s31 =	sand.u32 $0x4000, s16  }
0x20: {  	s16 =	simm.s32 $0x0;
	s14 =	sshll.u32 s13, $0xE;
	[sflag:s4] =	ssyncadd.s32 $0xFFFFC000  }
0x21: {  	s13 =	sor.u32 $0x8040, s14;
	s15 =	sor.u32 $0x40, s14;
	s14 =	sor.u32 $0x8000, s31  }
.LBB1_3:
0x22: {  	v0 =	vmov s15;
	_ =	sdelay $0x3  }
0x23: {  	s18 =	simm.s32 $0x0  }
0x24: {  	v6 =	vld.idx.msk [tilespmem:v0+s18+$0x30 ss:$0x1], $0xffff  }
0x25: {  	v7 =	vld.idx.msk [tilespmem:v0+s18+$0xFFFFFFC0 ss:$0x1], $0xffff  }
0x26: {  	v5 =	vld.idx.msk [tilespmem:v0+s18+$0xFFFFFFD0 ss:$0x1], $0xffff  }
0x27: {  	v4 =	vld.idx.msk [tilespmem:v0+s18+$0xFFFFFFE0 ss:$0x1], $0xffff  }
0x28: {  	v3 =	vld.idx.msk [tilespmem:v0+s18+$0xFFFFFFF0 ss:$0x1], $0xffff  }
0x29: {  	v1 =	vld.idx.msk [tilespmem:v0+s18+$0x0 ss:$0x1], $0xffff  }
0x2a: {  	v2 =	vld.idx.msk [tilespmem:v0+s18+$0x10 ss:$0x1], $0xffff;
	[tilespmem:s13+$0x30] =	vst v6  }
0x2b: {  	s17 =	simm.s32 $0x80;
	s19 =	simm.s32 $0x400;
	[tilespmem:s13+$0xFFFFFFC0] =	vst v7;
	v6 =	vld.idx.msk [tilespmem:v0+s18+$0x20 ss:$0x1], $0xffff;
	s18 =	smov.u32 s13  }
.LBB1_4:
0x2c: {  	p1 =	sne.s32 s19, $0xE00;
	v7 =	vld.idx.msk [tilespmem:v0+s17+$0x30 ss:$0x1], $0xffff;
	[tilespmem:s18+$0xFFFFFFD0] =	vst v5  }
0x2d: {  	v8 =	vld.idx.msk [tilespmem:v0+s17+$0xFFFFFFC0 ss:$0x1], $0xffff;
	[tilespmem:s18+$0xFFFFFFE0] =	vst v4  }
0x2e: {  	v5 =	vld.idx.msk [tilespmem:v0+s17+$0xFFFFFFD0 ss:$0x1], $0xffff;
	[tilespmem:s18+$0xFFFFFFF0] =	vst v3  }
.Ltmp3:
0x2f: {  	v4 =	vld.idx.msk [tilespmem:v0+s17+$0xFFFFFFE0 ss:$0x1], $0xffff;
	[tilespmem:s18+$0x0] =	vst v1;
	(pc) =	sbr.rel @p1 .LBB1_4-.Ltmp3, $4  }
0x30: {  	v3 =	vld.idx.msk [tilespmem:v0+s17+$0xFFFFFFF0 ss:$0x1], $0xffff;
	[tilespmem:s18+$0x10] =	vst v2  }
0x31: {  	v1 =	vld.idx.msk [tilespmem:v0+s17+$0x0 ss:$0x1], $0xffff;
	[tilespmem:s18+$0x20] =	vst v6;
	s18 =	sadd.s32 $0x800, s18  }
0x32: {  	v2 =	vld.idx.msk [tilespmem:v0+s17+$0x10 ss:$0x1], $0xffff;
	[tilespmem:s18+$0x30] =	vst v7  }
0x33: {  	[tilespmem:s18+$0xFFFFFFC0] =	vst v8;
	v6 =	vld.idx.msk [tilespmem:v0+s17+$0x20 ss:$0x1], $0xffff;
	s17 =	sshra.s32 s19, $0x2;
	s19 =	sadd.s32 $0x200, s19  }
0x34: {  	_ =	sdelay $0x2  }
0x35: {  	[tilespmem:s18+$0xFFFFFFD0] =	vst v5  }
0x36: {  	v56 =	vld.idx.msk [tilespmem:v0+s17+$0x30 ss:$0x1], $0xffff;
	[tilespmem:s18+$0xFFFFFFE0] =	vst v4  }
0x37: {  	v57 =	vld.idx.msk [tilespmem:v0+s17+$0xFFFFFFC0 ss:$0x1], $0xffff;
	[tilespmem:s18+$0xFFFFFFF0] =	vst v3  }
0x38: {  	v58 =	vld.idx.msk [tilespmem:v0+s17+$0xFFFFFFD0 ss:$0x1], $0xffff;
	[tilespmem:s18+$0x0] =	vst v1  }
0x39: {  	v59 =	vld.idx.msk [tilespmem:v0+s17+$0xFFFFFFE0 ss:$0x1], $0xffff;
	[tilespmem:s18+$0x10] =	vst v2  }
0x3a: {  	v60 =	vld.idx.msk [tilespmem:v0+s17+$0xFFFFFFF0 ss:$0x1], $0xffff;
	s31 =	sadd.s32 $0x800, s18;
	[tilespmem:s18+$0x20] =	vst v6  }
0x3b: {  	v61 =	vld.idx.msk [tilespmem:v0+s17+$0x0 ss:$0x1], $0xffff;
	[tilespmem:s31+$0x30] =	vst v56  }
0x3c: {  	v62 =	vld.idx.msk [tilespmem:v0+s17+$0x10 ss:$0x1], $0xffff;
	s16 =	sadd.s32 $0x1, s16;
	[tilespmem:s31+$0xFFFFFFC0] =	vst v57  }
0x3d: {  	v63 =	vld.idx.msk [tilespmem:v0+s17+$0x20 ss:$0x1], $0xffff;
	p1 =	sne.s32 s16, $0x10;
	[tilespmem:s31+$0xFFFFFFD0] =	vst v58  }
.Ltmp4:
0x3e: {  	[tilespmem:s31+$0xFFFFFFE0] =	vst v59;
	(pc) =	sbr.rel @p1 .LBB1_3-.Ltmp4, $4  }
0x3f: {  	[tilespmem:s31+$0xFFFFFFF0] =	vst v60  }
0x40: {  	[tilespmem:s31+$0x0] =	vst v61  }
0x41: {  	[tilespmem:s31+$0x10] =	vst v62  }
0x42: {  	s13 =	sadd.s32 $0x80, s13;
	s15 =	sadd.s32 $0x400, s15;
	[tilespmem:s31+$0x20] =	vst v63  }
.Ltmp5:
0x43: {  	(pc) =	sbr.rel .LBB1_7-.Ltmp5, $4  }
0x44: {  	s12 =	sshll.u32 s12, $0xD;
	s11 =	sshll.u32 s11, $0x4  }
0x45: {  	s11 =	sand.u32 $0x3F0, s11;
	s12 =	sadd.s32 s3, s12  }
0x46: {  	s11 =	sadd.s32 s11, s12  }
0x47: {  	[hbm4b:s11+s6] =	stream.strided.scatter [tilespmem:s14], [sflag:$0x2], $0x4000, s7, s6, $0x38;
	[tilespmem:$0x10000] =	vst v63  }
.LBB1_8:
0x48: {  	_ =	sfence.sel $0x180000  }
0x49: {  	s2 =	simm.s32 $0x1;
	[bflag:$0x0] =	sbarrier.arrive $0xFFFF  }
0x4a: {  	s31 =	simm.s32 $0x2;
	[sflag:s2] =	ssyncpa.u1 $0x1  }
0x4b: {  	[sflag:s31] =	ssyncpa.u1 $0x1  }
0x4c: {  	p0 =	sne.s32 s1, $0x0;
	_ =	strace $0x90000047  }
0x4d: {  	s0 =	sadd.s32 @!p0 $0x100000, s0;
	[bflag:$0x2] =	sbarrier.arrive $0xFFFF  }
0x4e: {  	[sflag:s0] =	ssyncadd.tile.s32 @!p0 $0x1;
	_ =	shalt  }
.Lfunc_end1:
_tile_overlayer_lowered:
.L_overlay_start_2:
0x4f: {  	(tag) =	ssettag $0x2  }
0x50: {  	s0 =	rddreg [dreg:$0x0];
	s2 =	stileid.u32  }
0x51: {  	s1 =	rddreg [dreg:$0x1];
	p0 =	sne.s32 s2, $0x0  }
0x52: {  	s3 =	rddreg [dreg:$0x2];
	[bflag:$0x3] =	sbarrier.arrive $0xFFFF;
	s2 =	simm.s32 @!p0 $0x1C01  }
0x53: {  	[timem:s3], [sflag:s2] =	dma.local @!p0 [hbm:s0], s1  }
0x54: {  	s0 =	simm.s32 @!p0 $0x1  }
0x55: {  	_ =	swait.ge @!p0 [sflag:s0], s1  }
0x56: {  	s1 =	ssub.s32 @!p0 $0x0, s1;
	[sflag:s0] =	ssyncset.done @!p0 $0x0  }
0x57: {  	[sflag:s0] =	ssyncadd.s32 @!p0 s1  }
0x58: {  	[bflag:$0x3] =	sbarrier.arrive $0xFFFF  }
0x59: {  	_ =	shalt  }

</sc_bundles>
